<compile_context>
chip_gen: v7x
topology: tpu7x:2x2x1
jax: 0.10.2.dev20260603
libtpu: 0.0.44.dev20260713+nightly
codegen_flags: <defaults>
</compile_context>

<pallas_src>
import functools

import jax
import jax.numpy as jnp
from jax import lax
from jax.experimental import pallas as pl
from jax.experimental.pallas import tpu as pltpu
from jax.experimental.pallas import tpu_sc as plsc

BINSIZE = 500
N_BINS = 200
NC = 2
NS = 16
NW = NC * NS
L = 16

CHUNK = 8192
TAIL = 576
N_FRAG = 122 * CHUNK + TAIL

DIV_M = 33555
DIV_S = 22

_SC_PARAMS = pltpu.CompilerParams(
    use_tc_tiling_on_sc=False, needs_layout_passes=False)


def _sc_gather_rows(table, idx):
    b = idx.shape[0]
    d = table.shape[1]
    b_per_w = b // NW
    mesh = plsc.VectorSubcoreMesh(
        core_axis_name="c", subcore_axis_name="s", num_cores=NC, num_subcores=NS
    )

    @functools.partial(
        pl.kernel,
        mesh=mesh,
        out_type=jax.ShapeDtypeStruct((b, d), jnp.float32),
        compiler_params=_SC_PARAMS,
        scratch_types=[
            pltpu.VMEM((b_per_w,), jnp.int32),
            pltpu.VMEM((b_per_w, d), jnp.float32),
            pltpu.SemaphoreType.DMA,
        ],
    )
    def k(table_hbm, idx_hbm, out_hbm, idx_v, rows_v, sem):
        wid = lax.axis_index("s") * NC + lax.axis_index("c")
        base = wid * b_per_w
        pltpu.sync_copy(idx_hbm.at[pl.ds(base, b_per_w)], idx_v)
        pltpu.async_copy(table_hbm.at[idx_v], rows_v, sem).wait()
        pltpu.sync_copy(rows_v, out_hbm.at[pl.ds(base, b_per_w)])

    return k(table, idx)


def _sc_extract_columns(table_t, rsorted, tail_cols):
    d = table_t.shape[0]
    nreg = table_t.shape[1]
    ntile = (nreg // 128) * 128
    ntail = nreg - ntile
    b = rsorted.shape[0]
    b_per_w = b // NW
    mesh = plsc.VectorSubcoreMesh(
        core_axis_name="c", subcore_axis_name="s", num_cores=NC, num_subcores=NS
    )

    @functools.partial(
        pl.kernel,
        mesh=mesh,
        out_type=jax.ShapeDtypeStruct((b, 256), jnp.float32),
        compiler_params=pltpu.CompilerParams(
            use_tc_tiling_on_sc=True, needs_layout_passes=False),
        scratch_types=[
            pltpu.VMEM((b_per_w,), jnp.int32),
            pltpu.VMEM((d, 128), jnp.float32),
            pltpu.VMEM((ntail, d), jnp.float32),
            pltpu.VMEM((b_per_w, 128), jnp.float32),
            pltpu.VMEM((b_per_w, 128), jnp.float32),
            pltpu.SemaphoreType.DMA,
        ],
    )
    def k(tab_hbm, idx_hbm, tail_hbm, out_hbm, idx_v, band, tail_v,
          xa, xb, sem):
        wid = lax.axis_index("s") * NC + lax.axis_index("c")
        base = wid * b_per_w
        pltpu.sync_copy(idx_hbm.at[pl.ds(base, b_per_w)], idx_v)
        pltpu.sync_copy(tail_hbm, tail_v)
        iota = lax.broadcasted_iota(jnp.int32, (L,), 0)
        zeros = iota * 0

        def body(s, band_prev):
            r = jnp.max(plsc.load_gather(idx_v, [zeros + s]))
            bd = r >> 7

            @pl.when(jnp.logical_and(bd != band_prev, r < ntile))
            def _():
                pltpu.sync_copy(
                    tab_hbm.at[pl.ds(0, d), pl.ds(bd * 128, 128)], band)

            @pl.when(r < ntile)
            def _():
                cvec = zeros + (r & 127)
                for kk in range(13):
                    row0 = min(kk * L, d - L)
                    v = plsc.load_gather(band, [row0 + iota, cvec])
                    if row0 < 128:
                        xa[s, pl.ds(row0, L)] = v
                    else:
                        xb[s, pl.ds(row0 - 128, L)] = v

            @pl.when(r >= ntile)
            def _():
                tr = r - ntile
                for kk in range(13):
                    row0 = min(kk * L, d - L)
                    v = plsc.load_gather(tail_v, [zeros + tr, row0 + iota])
                    if row0 < 128:
                        xa[s, pl.ds(row0, L)] = v
                    else:
                        xb[s, pl.ds(row0 - 128, L)] = v

            return jnp.where(r < ntile, bd, band_prev)

        lax.fori_loop(0, b_per_w, body, jnp.int32(-1))
        pltpu.sync_copy(xa, out_hbm.at[pl.ds(base, b_per_w), pl.ds(0, 128)])
        pltpu.sync_copy(xb, out_hbm.at[pl.ds(base, b_per_w), pl.ds(128, 128)])

    return k(table_t, rsorted, tail_cols)


def _tc_log_softmax(rows, d):
    n, dp = rows.shape

    def body(x_ref, o_ref):
        x = x_ref[:, :d]
        m = jnp.max(x, axis=1, keepdims=True)
        e = jnp.exp(x - m)
        s = jnp.sum(e, axis=1, keepdims=True)
        o_ref[...] = (x - m) - jnp.log(s) + jnp.log(jnp.float32(d))

    return pl.pallas_call(
        body,
        out_shape=jax.ShapeDtypeStruct((n, d), jnp.float32),
    )(rows)


N_FPAD = 1000448


def _tc_flat_indices(c0, lrix, window):
    n = c0.shape[0]

    def body(w_ref, c_ref, l_ref, o_ref):
        w = w_ref[0]
        x = c_ref[...] - w
        bins = ((x >> 2) * DIV_M) >> DIV_S
        o_ref[pl.ds(0, n)] = l_ref[...] * N_BINS + bins

    return pl.pallas_call(
        body,
        in_specs=[
            pl.BlockSpec(memory_space=pltpu.SMEM),
            pl.BlockSpec((n,), lambda: (0,)),
            pl.BlockSpec((n,), lambda: (0,)),
        ],
        out_specs=pl.BlockSpec((N_FPAD,), lambda: (0,)),
        out_shape=jax.ShapeDtypeStruct((N_FPAD,), jnp.int32),
    )(window, c0, lrix)


def _sc_fragment_gather(heights_flat, findices):
    mesh = plsc.VectorSubcoreMesh(
        core_axis_name="c", subcore_axis_name="s", num_cores=NC, num_subcores=NS
    )

    @functools.partial(
        pl.kernel,
        mesh=mesh,
        out_type=jax.ShapeDtypeStruct((N_FPAD,), jnp.float32),
        compiler_params=_SC_PARAMS,
        scratch_types=[
            pltpu.VMEM((CHUNK,), jnp.int32),
            pltpu.VMEM((CHUNK,), jnp.float32),
            pltpu.SemaphoreType.DMA,
        ],
    )
    def k(h_hbm, f_hbm, out_hbm, fbuf, obuf, sem):
        wid = lax.axis_index("s") * NC + lax.axis_index("c")

        def do_chunk(off, n):
            pltpu.sync_copy(f_hbm.at[pl.ds(off, n)], fbuf.at[pl.ds(0, n)])
            pltpu.async_copy(h_hbm.at[fbuf.at[pl.ds(0, n)]],
                             obuf.at[pl.ds(0, n)], sem).wait()
            pltpu.sync_copy(obuf.at[pl.ds(0, n)],
                            out_hbm.at[pl.ds(off, n)])

        cbase = jnp.where(wid < 26, 4 * wid, 104 + 3 * (wid - 26))

        def main_chunk(j, _):
            do_chunk((cbase + j) * CHUNK, CHUNK)
            return 0

        lax.fori_loop(0, 3, main_chunk, 0)

        @pl.when(wid < 26)
        def _():
            do_chunk((cbase + 3) * CHUNK, CHUNK)

        @pl.when(wid == NW - 1)
        def _():
            do_chunk(122 * CHUNK, TAIL)

    return k(heights_flat, findices)


def kernel(regions_oi, coordinates, local_region_ix, window, baseline_weight):
    table_t = baseline_weight.T
    ntile = (table_t.shape[1] // 128) * 128
    tail_cols = baseline_weight[ntile:, :]
    order = jnp.argsort(regions_oi)
    rsorted = jnp.take(regions_oi, order)
    pos = jnp.zeros_like(order).at[order].set(
        jnp.arange(order.shape[0], dtype=order.dtype))
    xsel = _sc_extract_columns(table_t, rsorted, tail_cols)
    heights_sorted = _tc_log_softmax(xsel, N_BINS)
    heights = _sc_gather_rows(heights_sorted, pos)
    heights_flat = heights.reshape(-1)
    c0 = coordinates[:, 0]
    findices = _tc_flat_indices(c0, local_region_ix, window)
    out = _sc_fragment_gather(heights_flat, findices)
    return out[:coordinates.shape[0]]

# --- scband reference (transcript-rebuilt; emitter-appended) ---
"""Pipeline reference for scband-baseline-69647189672550 (READ-ONLY COPY).

The authoritative reference and input builder live on the scoring server;
editing this copy changes nothing except your own understanding.
"""

import jax, jax.numpy as jnp
import numpy as np

BINSIZE = 500
N_REGIONS = 100000
N_BINS = 200
N_REGIONS_OI = 4096
N_FRAGMENTS = 1000000
WIDTH = 100000


def setup_inputs(seed: int = 0) -> dict:
    key = jax.random.key(seed)
    k1, k2, k3, k4 = jax.random.split(key, 4)
    regions_oi = jax.random.randint(k1, (N_REGIONS_OI,), 0, N_REGIONS, dtype=jnp.int32)
    coordinates = jax.random.randint(k2, (N_FRAGMENTS, 2), 0, WIDTH, dtype=jnp.int32)
    local_region_ix = jax.random.randint(k3, (N_FRAGMENTS,), 0, N_REGIONS_OI, dtype=jnp.int32)
    window = jnp.zeros((2,), dtype=jnp.int32)  # window[0] = 0 (left edge of region)
    baseline_weight = jax.random.normal(k4, (N_REGIONS, N_BINS), dtype=jnp.float32) * 0.02
    return {
        "regions_oi": regions_oi,
        "coordinates": coordinates,
        "local_region_ix": local_region_ix,
        "window": window,
        "baseline_weight": baseline_weight,
    }


def reference(regions_oi, coordinates, local_region_ix, window, baseline_weight):
    # unnormalized_height = self.baseline(regions_oi)  -> sparse embedding gather
    unnormalized_height = jnp.take(baseline_weight, regions_oi, axis=0)  # [B, n_bins]
    # heights = log_softmax(unnormalized_height, 1) + log(n_bins)
    heights = jax.nn.log_softmax(unnormalized_height, axis=1) + jnp.log(jnp.float32(unnormalized_height.shape[1]))
    # bin_ixs = floor_div(coordinates[:, 0] - window[0], binsize)
    bin_ixs = (coordinates[:, 0] - window[0]) // BINSIZE  # [n_fragments]
    # logprob = zeros(n_fragments) + heights[local_region_ix, bin_ixs]
    logprob = jnp.zeros((coordinates.shape[0],), dtype=heights.dtype)
    logprob = logprob + heights[local_region_ix, bin_ixs]
    return logprob

if __name__ == "__main__":
    import jax
    _d = setup_inputs()
    print(jax.jit(kernel)(*tuple(_d.values())))

</pallas_src>

<mosaic_0001>
#map = affine_map<(d0, d1) -> (0, 0)>
#map1 = affine_map<(d0, d1) -> (0)>
module attributes {stable_mosaic.version = 14 : i64} {
  func.func @k(%arg0: i32, %arg1: i32, %arg2: memref<4096x200xf32, #tpu.memory_space<hbm>>, %arg3: memref<4096xi32, #tpu.memory_space<hbm>>, %arg4: memref<4096x200xf32, #tpu.memory_space<hbm>>, %arg5: memref<128xi32, #tpu.memory_space<vmem>>, %arg6: memref<128x200xf32, #tpu.memory_space<vmem>>, %arg7: memref<!tpu.dma_semaphore, #tpu.memory_space<semaphore_mem>>) attributes {dimension_semantics = [#tpu.dimension_semantics<core_parallel>, #tpu.dimension_semantics<subcore_parallel>], iteration_bounds = array<i64: 2, 16>, scalar_prefetch = 0 : i64, scratch_operands = 3 : i64, tpu.core_type = #tpu.core_type<sc_vector_subcore>, window_params = [{transform_indices = #map}, {transform_indices = #map1}, {transform_indices = #map}]} {
    %mul3A = arith.constant 2 : i32
    %mul3A_0 = arith.muli %arg1, %mul3A : i32
    %add3A = arith.addi %mul3A_0, %arg0 : i32
    %mul3A_1 = arith.constant 128 : i32
    %mul3A_2 = arith.muli %add3A, %mul3A_1 : i32
    "tpu.region"() ({
      %run_scoped3A = tpu.sem_alloc : memref<!tpu.dma_semaphore, #tpu.memory_space<semaphore_mem>>
      %dma_start3A_7 = tpu.memref_slice %arg3[%mul3A_2] : memref<4096xi32, #tpu.memory_space<hbm>> -> memref<128xi32, #tpu.memory_space<hbm>>
      %dma_start3A_8 = tpu.memref_slice %arg3[%mul3A_2] : memref<4096xi32, #tpu.memory_space<hbm>> -> memref<128xi32, #tpu.memory_space<hbm>>
      tpu.enqueue_dma source(%dma_start3A_8 : memref<128xi32, #tpu.memory_space<hbm>>) target(%arg5 : memref<128xi32, #tpu.memory_space<vmem>>) target_semaphore(%run_scoped3A : memref<!tpu.dma_semaphore, #tpu.memory_space<semaphore_mem>>)
      %dma_wait3A_9 = tpu.memref_slice %arg3[%mul3A_2] : memref<4096xi32, #tpu.memory_space<hbm>> -> memref<128xi32, #tpu.memory_space<hbm>>
      %dma_wait3A_10 = tpu.memref_slice %arg3[%mul3A_2] : memref<4096xi32, #tpu.memory_space<hbm>> -> memref<128xi32, #tpu.memory_space<hbm>>
      tpu.wait_dma2 semaphore(%run_scoped3A : memref<!tpu.dma_semaphore, #tpu.memory_space<semaphore_mem>>) src(%dma_wait3A_10 : memref<128xi32, #tpu.memory_space<hbm>>) dst(%arg5 : memref<128xi32, #tpu.memory_space<vmem>>)
      tpu.yield
    }) : () -> ()
    %dma_start3A = arith.constant 0 : i32
    %dma_start3A_3 = arith.constant 0 : i32
    %dma_start3A_4 = tpu.memref_slice %arg2[%dma_start3A, %dma_start3A_3] : memref<4096x200xf32, #tpu.memory_space<hbm>> -> memref<4096x200xf32, #tpu.memory_space<hbm>>
    tpu.enqueue_indirect_dma source(%dma_start3A_4 : memref<4096x200xf32, #tpu.memory_space<hbm>>) target(%arg6 : memref<128x200xf32, #tpu.memory_space<vmem>>) offsets(%arg5 : memref<128xi32, #tpu.memory_space<vmem>>) semaphore(%arg7 : memref<!tpu.dma_semaphore, #tpu.memory_space<semaphore_mem>>)
    %dma_wait3A = arith.constant 0 : i32
    %dma_wait3A_5 = arith.constant 0 : i32
    %dma_wait3A_6 = tpu.memref_slice %arg2[%dma_wait3A, %dma_wait3A_5] : memref<4096x200xf32, #tpu.memory_space<hbm>> -> memref<4096x200xf32, #tpu.memory_space<hbm>>
    tpu.wait_indirect_dma semaphore(%arg7 : memref<!tpu.dma_semaphore, #tpu.memory_space<semaphore_mem>>) src(%dma_wait3A_6 : memref<4096x200xf32, #tpu.memory_space<hbm>>) dst(%arg6 : memref<128x200xf32, #tpu.memory_space<vmem>>)
    "tpu.region"() ({
      %run_scoped3A = tpu.sem_alloc : memref<!tpu.dma_semaphore, #tpu.memory_space<semaphore_mem>>
      %dma_start3A_7 = arith.constant 0 : i32
      %dma_start3A_8 = tpu.memref_slice %arg4[%mul3A_2, %dma_start3A_7] : memref<4096x200xf32, #tpu.memory_space<hbm>> -> memref<128x200xf32, #tpu.memory_space<hbm>>
      %dma_start3A_9 = arith.constant 0 : i32
      %dma_start3A_10 = tpu.memref_slice %arg4[%mul3A_2, %dma_start3A_9] : memref<4096x200xf32, #tpu.memory_space<hbm>> -> memref<128x200xf32, #tpu.memory_space<hbm>>
      tpu.enqueue_dma source(%arg6 : memref<128x200xf32, #tpu.memory_space<vmem>>) target(%dma_start3A_10 : memref<128x200xf32, #tpu.memory_space<hbm>>) target_semaphore(%run_scoped3A : memref<!tpu.dma_semaphore, #tpu.memory_space<semaphore_mem>>)
      %dma_wait3A_11 = arith.constant 0 : i32
      %dma_wait3A_12 = tpu.memref_slice %arg4[%mul3A_2, %dma_wait3A_11] : memref<4096x200xf32, #tpu.memory_space<hbm>> -> memref<128x200xf32, #tpu.memory_space<hbm>>
      %dma_wait3A_13 = arith.constant 0 : i32
      %dma_wait3A_14 = tpu.memref_slice %arg4[%mul3A_2, %dma_wait3A_13] : memref<4096x200xf32, #tpu.memory_space<hbm>> -> memref<128x200xf32, #tpu.memory_space<hbm>>
      tpu.wait_dma2 semaphore(%run_scoped3A : memref<!tpu.dma_semaphore, #tpu.memory_space<semaphore_mem>>) src(%arg6 : memref<128x200xf32, #tpu.memory_space<vmem>>) dst(%dma_wait3A_14 : memref<128x200xf32, #tpu.memory_space<hbm>>)
      tpu.yield
    }) : () -> ()
    return
  }
}

#map = affine_map<(d0, d1) -> (0)>
module attributes {stable_mosaic.version = 14 : i64} {
  func.func @k(%arg0: i32, %arg1: i32, %arg2: memref<819200xf32, #tpu.memory_space<hbm>>, %arg3: memref<1000448xi32, #tpu.memory_space<hbm>>, %arg4: memref<1000448xf32, #tpu.memory_space<hbm>>, %arg5: memref<8192xi32, #tpu.memory_space<vmem>>, %arg6: memref<8192xf32, #tpu.memory_space<vmem>>, %arg7: memref<!tpu.dma_semaphore, #tpu.memory_space<semaphore_mem>>) attributes {dimension_semantics = [#tpu.dimension_semantics<core_parallel>, #tpu.dimension_semantics<subcore_parallel>], iteration_bounds = array<i64: 2, 16>, scalar_prefetch = 0 : i64, scratch_operands = 3 : i64, tpu.core_type = #tpu.core_type<sc_vector_subcore>, window_params = [{transform_indices = #map}, {transform_indices = #map}, {transform_indices = #map}]} {
    %mul3A = arith.constant 2 : i32
    %mul3A_0 = arith.muli %arg1, %mul3A : i32
    %add3A = arith.addi %mul3A_0, %arg0 : i32
    %lt3A = arith.constant 26 : i32
    %lt3A_1 = arith.cmpi slt, %add3A, %lt3A : i32
    %mul3A_2 = arith.constant 4 : i32
    %mul3A_3 = arith.muli %mul3A_2, %add3A : i32
    %sub3A = arith.constant 26 : i32
    %sub3A_4 = arith.subi %add3A, %sub3A : i32
    %mul3A_5 = arith.constant 3 : i32
    %mul3A_6 = arith.muli %mul3A_5, %sub3A_4 : i32
    %add3A_7 = arith.constant 104 : i32
    %add3A_8 = arith.addi %add3A_7, %mul3A_6 : i32
    %select_n3A = arith.select %lt3A_1, %mul3A_3, %add3A_8 : i32
    %scan3A = arith.constant 0 : i32
    %scan3A_9 = arith.constant 0 : i32
    %scan3A_10 = arith.constant 3 : i32
    %scan3A_11 = arith.addi %scan3A_9, %scan3A_10 : i32
    %scan3A_12 = arith.constant 1 : i32
    %scan3A_13 = scf.for %scan3A_22 = %scan3A_9 to %scan3A_11 step %scan3A_12 iter_args(%scan3A_23 = %scan3A) -> (i32)  : i32 {
      %add3A_24 = arith.addi %select_n3A, %scan3A_22 : i32
      %mul3A_25 = arith.constant 8192 : i32
      %mul3A_26 = arith.muli %add3A_24, %mul3A_25 : i32
      "tpu.region"() ({
        %run_scoped3A = tpu.sem_alloc : memref<!tpu.dma_semaphore, #tpu.memory_space<semaphore_mem>>
        %dma_start3A_38 = arith.constant 0 : i32
        %dma_start3A_39 = tpu.memref_slice %arg5[%dma_start3A_38] : memref<8192xi32, #tpu.memory_space<vmem>> -> memref<8192xi32, #tpu.memory_space<vmem>>
        %dma_start3A_40 = tpu.memref_slice %arg3[%mul3A_26] : memref<1000448xi32, #tpu.memory_space<hbm>> -> memref<8192xi32, #tpu.memory_space<hbm>>
        %dma_start3A_41 = arith.constant 0 : i32
        %dma_start3A_42 = tpu.memref_slice %arg5[%dma_start3A_41] : memref<8192xi32, #tpu.memory_space<vmem>> -> memref<8192xi32, #tpu.memory_space<vmem>>
        %dma_start3A_43 = tpu.memref_slice %arg3[%mul3A_26] : memref<1000448xi32, #tpu.memory_space<hbm>> -> memref<8192xi32, #tpu.memory_space<hbm>>
        tpu.enqueue_dma source(%dma_start3A_43 : memref<8192xi32, #tpu.memory_space<hbm>>) target(%dma_start3A_42 : memref<8192xi32, #tpu.memory_space<vmem>>) target_semaphore(%run_scoped3A : memref<!tpu.dma_semaphore, #tpu.memory_space<semaphore_mem>>)
        %dma_wait3A_44 = arith.constant 0 : i32
        %dma_wait3A_45 = tpu.memref_slice %arg5[%dma_wait3A_44] : memref<8192xi32, #tpu.memory_space<vmem>> -> memref<8192xi32, #tpu.memory_space<vmem>>
        %dma_wait3A_46 = tpu.memref_slice %arg3[%mul3A_26] : memref<1000448xi32, #tpu.memory_space<hbm>> -> memref<8192xi32, #tpu.memory_space<hbm>>
        %dma_wait3A_47 = arith.constant 0 : i32
        %dma_wait3A_48 = tpu.memref_slice %arg5[%dma_wait3A_47] : memref<8192xi32, #tpu.memory_space<vmem>> -> memref<8192xi32, #tpu.memory_space<vmem>>
        %dma_wait3A_49 = tpu.memref_slice %arg3[%mul3A_26] : memref<1000448xi32, #tpu.memory_space<hbm>> -> memref<8192xi32, #tpu.memory_space<hbm>>
        tpu.wait_dma2 semaphore(%run_scoped3A : memref<!tpu.dma_semaphore, #tpu.memory_space<semaphore_mem>>) src(%dma_wait3A_49 : memref<8192xi32, #tpu.memory_space<hbm>>) dst(%dma_wait3A_48 : memref<8192xi32, #tpu.memory_space<vmem>>)
        tpu.yield
      }) : () -> ()
      %dma_start3A = arith.constant 0 : i32
      %dma_start3A_27 = tpu.memref_slice %arg6[%dma_start3A] : memref<8192xf32, #tpu.memory_space<vmem>> -> memref<8192xf32, #tpu.memory_space<vmem>>
      %dma_start3A_28 = arith.constant 0 : i32
      %dma_start3A_29 = tpu.memref_slice %arg5[%dma_start3A_28] : memref<8192xi32, #tpu.memory_space<vmem>> -> memref<8192xi32, #tpu.memory_space<vmem>>
      %dma_start3A_30 = arith.constant 0 : i32
      %dma_start3A_31 = tpu.memref_slice %arg2[%dma_start3A_30] : memref<819200xf32, #tpu.memory_space<hbm>> -> memref<819200xf32, #tpu.memory_space<hbm>>
      tpu.enqueue_indirect_dma source(%dma_start3A_31 : memref<819200xf32, #tpu.memory_space<hbm>>) target(%dma_start3A_27 : memref<8192xf32, #tpu.memory_space<vmem>>) offsets(%dma_start3A_29 : memref<8192xi32, #tpu.memory_space<vmem>>) semaphore(%arg7 : memref<!tpu.dma_semaphore, #tpu.memory_space<semaphore_mem>>)
      %dma_wait3A = arith.constant 0 : i32
      %dma_wait3A_32 = tpu.memref_slice %arg6[%dma_wait3A] : memref<8192xf32, #tpu.memory_space<vmem>> -> memref<8192xf32, #tpu.memory_space<vmem>>
      %dma_wait3A_33 = arith.constant 0 : i32
      %dma_wait3A_34 = tpu.memref_slice %arg5[%dma_wait3A_33] : memref<8192xi32, #tpu.memory_space<vmem>> -> memref<8192xi32, #tpu.memory_space<vmem>>
      %dma_wait3A_35 = arith.constant 0 : i32
      %dma_wait3A_36 = tpu.memref_slice %arg2[%dma_wait3A_35] : memref<819200xf32, #tpu.memory_space<hbm>> -> memref<819200xf32, #tpu.memory_space<hbm>>
      tpu.wait_indirect_dma semaphore(%arg7 : memref<!tpu.dma_semaphore, #tpu.memory_space<semaphore_mem>>) src(%dma_wait3A_36 : memref<819200xf32, #tpu.memory_space<hbm>>) dst(%dma_wait3A_32 : memref<8192xf32, #tpu.memory_space<vmem>>)
      "tpu.region"() ({
        %run_scoped3A = tpu.sem_alloc : memref<!tpu.dma_semaphore, #tpu.memory_space<semaphore_mem>>
        %dma_start3A_38 = arith.constant 0 : i32
        %dma_start3A_39 = tpu.memref_slice %arg6[%dma_start3A_38] : memref<8192xf32, #tpu.memory_space<vmem>> -> memref<8192xf32, #tpu.memory_space<vmem>>
        %dma_start3A_40 = tpu.memref_slice %arg4[%mul3A_26] : memref<1000448xf32, #tpu.memory_space<hbm>> -> memref<8192xf32, #tpu.memory_space<hbm>>
        %dma_start3A_41 = tpu.memref_slice %arg4[%mul3A_26] : memref<1000448xf32, #tpu.memory_space<hbm>> -> memref<8192xf32, #tpu.memory_space<hbm>>
        %dma_start3A_42 = arith.constant 0 : i32
        %dma_start3A_43 = tpu.memref_slice %arg6[%dma_start3A_42] : memref<8192xf32, #tpu.memory_space<vmem>> -> memref<8192xf32, #tpu.memory_space<vmem>>
        tpu.enqueue_dma source(%dma_start3A_43 : memref<8192xf32, #tpu.memory_space<vmem>>) target(%dma_start3A_41 : memref<8192xf32, #tpu.memory_space<hbm>>) target_semaphore(%run_scoped3A : memref<!tpu.dma_semaphore, #tpu.memory_space<semaphore_mem>>)
        %dma_wait3A_44 = arith.constant 0 : i32
        %dma_wait3A_45 = tpu.memref_slice %arg6[%dma_wait3A_44] : memref<8192xf32, #tpu.memory_space<vmem>> -> memref<8192xf32, #tpu.memory_space<vmem>>
        %dma_wait3A_46 = tpu.memref_slice %arg4[%mul3A_26] : memref<1000448xf32, #tpu.memory_space<hbm>> -> memref<8192xf32, #tpu.memory_space<hbm>>
        %dma_wait3A_47 = tpu.memref_slice %arg4[%mul3A_26] : memref<1000448xf32, #tpu.memory_space<hbm>> -> memref<8192xf32, #tpu.memory_space<hbm>>
        %dma_wait3A_48 = arith.constant 0 : i32
        %dma_wait3A_49 = tpu.memref_slice %arg6[%dma_wait3A_48] : memref<8192xf32, #tpu.memory_space<vmem>> -> memref<8192xf32, #tpu.memory_space<vmem>>
        tpu.wait_dma2 semaphore(%run_scoped3A : memref<!tpu.dma_semaphore, #tpu.memory_space<semaphore_mem>>) src(%dma_wait3A_49 : memref<8192xf32, #tpu.memory_space<vmem>>) dst(%dma_wait3A_47 : memref<8192xf32, #tpu.memory_space<hbm>>)
        tpu.yield
      }) : () -> ()
      %scan3A_37 = arith.constant 0 : i32
      scf.yield %scan3A_37 : i32
    }
    %scan3A_14 = arith.constant 3 : i32
    %lt3A_15 = arith.constant 26 : i32
    %lt3A_16 = arith.cmpi slt, %add3A, %lt3A_15 : i32
    %convert_element_type3A = arith.extui %lt3A_16 : i1 to i32
    %cond3A = arith.constant 0 : i32
    %cond3A_17 = arith.cmpi ne, %convert_element_type3A, %cond3A : i32
    scf.if %cond3A_17 {
      %add3A_22 = arith.constant 3 : i32
      %add3A_23 = arith.addi %select_n3A, %add3A_22 : i32
      %mul3A_24 = arith.constant 8192 : i32
      %mul3A_25 = arith.muli %add3A_23, %mul3A_24 : i32
      "tpu.region"() ({
        %run_scoped3A = tpu.sem_alloc : memref<!tpu.dma_semaphore, #tpu.memory_space<semaphore_mem>>
        %dma_start3A_36 = arith.constant 0 : i32
        %dma_start3A_37 = tpu.memref_slice %arg5[%dma_start3A_36] : memref<8192xi32, #tpu.memory_space<vmem>> -> memref<8192xi32, #tpu.memory_space<vmem>>
        %dma_start3A_38 = tpu.memref_slice %arg3[%mul3A_25] : memref<1000448xi32, #tpu.memory_space<hbm>> -> memref<8192xi32, #tpu.memory_space<hbm>>
        %dma_start3A_39 = arith.constant 0 : i32
        %dma_start3A_40 = tpu.memref_slice %arg5[%dma_start3A_39] : memref<8192xi32, #tpu.memory_space<vmem>> -> memref<8192xi32, #tpu.memory_space<vmem>>
        %dma_start3A_41 = tpu.memref_slice %arg3[%mul3A_25] : memref<1000448xi32, #tpu.memory_space<hbm>> -> memref<8192xi32, #tpu.memory_space<hbm>>
        tpu.enqueue_dma source(%dma_start3A_41 : memref<8192xi32, #tpu.memory_space<hbm>>) target(%dma_start3A_40 : memref<8192xi32, #tpu.memory_space<vmem>>) target_semaphore(%run_scoped3A : memref<!tpu.dma_semaphore, #tpu.memory_space<semaphore_mem>>)
        %dma_wait3A_42 = arith.constant 0 : i32
        %dma_wait3A_43 = tpu.memref_slice %arg5[%dma_wait3A_42] : memref<8192xi32, #tpu.memory_space<vmem>> -> memref<8192xi32, #tpu.memory_space<vmem>>
        %dma_wait3A_44 = tpu.memref_slice %arg3[%mul3A_25] : memref<1000448xi32, #tpu.memory_space<hbm>> -> memref<8192xi32, #tpu.memory_space<hbm>>
        %dma_wait3A_45 = arith.constant 0 : i32
        %dma_wait3A_46 = tpu.memref_slice %arg5[%dma_wait3A_45] : memref<8192xi32, #tpu.memory_space<vmem>> -> memref<8192xi32, #tpu.memory_space<vmem>>
        %dma_wait3A_47 = tpu.memref_slice %arg3[%mul3A_25] : memref<1000448xi32, #tpu.memory_space<hbm>> -> memref<8192xi32, #tpu.memory_space<hbm>>
        tpu.wait_dma2 semaphore(%run_scoped3A : memref<!tpu.dma_semaphore, #tpu.memory_space<semaphore_mem>>) src(%dma_wait3A_47 : memref<8192xi32, #tpu.memory_space<hbm>>) dst(%dma_wait3A_46 : memref<8192xi32, #tpu.memory_space<vmem>>)
        tpu.yield
      }) : () -> ()
      %dma_start3A = arith.constant 0 : i32
      %dma_start3A_26 = tpu.memref_slice %arg6[%dma_start3A] : memref<8192xf32, #tpu.memory_space<vmem>> -> memref<8192xf32, #tpu.memory_space<vmem>>
      %dma_start3A_27 = arith.constant 0 : i32
      %dma_start3A_28 = tpu.memref_slice %arg5[%dma_start3A_27] : memref<8192xi32, #tpu.memory_space<vmem>> -> memref<8192xi32, #tpu.memory_space<vmem>>
      %dma_start3A_29 = arith.constant 0 : i32
      %dma_start3A_30 = tpu.memref_slice %arg2[%dma_start3A_29] : memref<819200xf32, #tpu.memory_space<hbm>> -> memref<819200xf32, #tpu.memory_space<hbm>>
      tpu.enqueue_indirect_dma source(%dma_start3A_30 : memref<819200xf32, #tpu.memory_space<hbm>>) target(%dma_start3A_26 : memref<8192xf32, #tpu.memory_space<vmem>>) offsets(%dma_start3A_28 : memref<8192xi32, #tpu.memory_space<vmem>>) semaphore(%arg7 : memref<!tpu.dma_semaphore, #tpu.memory_space<semaphore_mem>>)
      %dma_wait3A = arith.constant 0 : i32
      %dma_wait3A_31 = tpu.memref_slice %arg6[%dma_wait3A] : memref<8192xf32, #tpu.memory_space<vmem>> -> memref<8192xf32, #tpu.memory_space<vmem>>
      %dma_wait3A_32 = arith.constant 0 : i32
      %dma_wait3A_33 = tpu.memref_slice %arg5[%dma_wait3A_32] : memref<8192xi32, #tpu.memory_space<vmem>> -> memref<8192xi32, #tpu.memory_space<vmem>>
      %dma_wait3A_34 = arith.constant 0 : i32
      %dma_wait3A_35 = tpu.memref_slice %arg2[%dma_wait3A_34] : memref<819200xf32, #tpu.memory_space<hbm>> -> memref<819200xf32, #tpu.memory_space<hbm>>
      tpu.wait_indirect_dma semaphore(%arg7 : memref<!tpu.dma_semaphore, #tpu.memory_space<semaphore_mem>>) src(%dma_wait3A_35 : memref<819200xf32, #tpu.memory_space<hbm>>) dst(%dma_wait3A_31 : memref<8192xf32, #tpu.memory_space<vmem>>)
      "tpu.region"() ({
        %run_scoped3A = tpu.sem_alloc : memref<!tpu.dma_semaphore, #tpu.memory_space<semaphore_mem>>
        %dma_start3A_36 = arith.constant 0 : i32
        %dma_start3A_37 = tpu.memref_slice %arg6[%dma_start3A_36] : memref<8192xf32, #tpu.memory_space<vmem>> -> memref<8192xf32, #tpu.memory_space<vmem>>
        %dma_start3A_38 = tpu.memref_slice %arg4[%mul3A_25] : memref<1000448xf32, #tpu.memory_space<hbm>> -> memref<8192xf32, #tpu.memory_space<hbm>>
        %dma_start3A_39 = tpu.memref_slice %arg4[%mul3A_25] : memref<1000448xf32, #tpu.memory_space<hbm>> -> memref<8192xf32, #tpu.memory_space<hbm>>
        %dma_start3A_40 = arith.constant 0 : i32
        %dma_start3A_41 = tpu.memref_slice %arg6[%dma_start3A_40] : memref<8192xf32, #tpu.memory_space<vmem>> -> memref<8192xf32, #tpu.memory_space<vmem>>
        tpu.enqueue_dma source(%dma_start3A_41 : memref<8192xf32, #tpu.memory_space<vmem>>) target(%dma_start3A_39 : memref<8192xf32, #tpu.memory_space<hbm>>) target_semaphore(%run_scoped3A : memref<!tpu.dma_semaphore, #tpu.memory_space<semaphore_mem>>)
        %dma_wait3A_42 = arith.constant 0 : i32
        %dma_wait3A_43 = tpu.memref_slice %arg6[%dma_wait3A_42] : memref<8192xf32, #tpu.memory_space<vmem>> -> memref<8192xf32, #tpu.memory_space<vmem>>
        %dma_wait3A_44 = tpu.memref_slice %arg4[%mul3A_25] : memref<1000448xf32, #tpu.memory_space<hbm>> -> memref<8192xf32, #tpu.memory_space<hbm>>
        %dma_wait3A_45 = tpu.memref_slice %arg4[%mul3A_25] : memref<1000448xf32, #tpu.memory_space<hbm>> -> memref<8192xf32, #tpu.memory_space<hbm>>
        %dma_wait3A_46 = arith.constant 0 : i32
        %dma_wait3A_47 = tpu.memref_slice %arg6[%dma_wait3A_46] : memref<8192xf32, #tpu.memory_space<vmem>> -> memref<8192xf32, #tpu.memory_space<vmem>>
        tpu.wait_dma2 semaphore(%run_scoped3A : memref<!tpu.dma_semaphore, #tpu.memory_space<semaphore_mem>>) src(%dma_wait3A_47 : memref<8192xf32, #tpu.memory_space<vmem>>) dst(%dma_wait3A_45 : memref<8192xf32, #tpu.memory_space<hbm>>)
        tpu.yield
      }) : () -> ()
    } else {
    }
    %eq3A = arith.constant 31 : i32
    %eq3A_18 = arith.cmpi eq, %add3A, %eq3A : i32
    %convert_element_type3A_19 = arith.extui %eq3A_18 : i1 to i32
    %cond3A_20 = arith.constant 0 : i32
    %cond3A_21 = arith.cmpi ne, %convert_element_type3A_19, %cond3A_20 : i32
    scf.if %cond3A_21 {
      "tpu.region"() ({
        %run_scoped3A = tpu.sem_alloc : memref<!tpu.dma_semaphore, #tpu.memory_space<semaphore_mem>>
        %dma_start3A_32 = arith.constant 0 : i32
        %dma_start3A_33 = tpu.memref_slice %arg5[%dma_start3A_32] : memref<8192xi32, #tpu.memory_space<vmem>> -> memref<576xi32, #tpu.memory_space<vmem>>
        %dma_start3A_34 = arith.constant 999424 : i32
        %dma_start3A_35 = tpu.memref_slice %arg3[%dma_start3A_34] : memref<1000448xi32, #tpu.memory_space<hbm>> -> memref<576xi32, #tpu.memory_space<hbm>>
        %dma_start3A_36 = arith.constant 0 : i32
        %dma_start3A_37 = tpu.memref_slice %arg5[%dma_start3A_36] : memref<8192xi32, #tpu.memory_space<vmem>> -> memref<576xi32, #tpu.memory_space<vmem>>
        %dma_start3A_38 = arith.constant 999424 : i32
        %dma_start3A_39 = tpu.memref_slice %arg3[%dma_start3A_38] : memref<1000448xi32, #tpu.memory_space<hbm>> -> memref<576xi32, #tpu.memory_space<hbm>>
        tpu.enqueue_dma source(%dma_start3A_39 : memref<576xi32, #tpu.memory_space<hbm>>) target(%dma_start3A_37 : memref<576xi32, #tpu.memory_space<vmem>>) target_semaphore(%run_scoped3A : memref<!tpu.dma_semaphore, #tpu.memory_space<semaphore_mem>>)
        %dma_wait3A_40 = arith.constant 0 : i32
        %dma_wait3A_41 = tpu.memref_slice %arg5[%dma_wait3A_40] : memref<8192xi32, #tpu.memory_space<vmem>> -> memref<576xi32, #tpu.memory_space<vmem>>
        %dma_wait3A_42 = arith.constant 999424 : i32
        %dma_wait3A_43 = tpu.memref_slice %arg3[%dma_wait3A_42] : memref<1000448xi32, #tpu.memory_space<hbm>> -> memref<576xi32, #tpu.memory_space<hbm>>
        %dma_wait3A_44 = arith.constant 0 : i32
        %dma_wait3A_45 = tpu.memref_slice %arg5[%dma_wait3A_44] : memref<8192xi32, #tpu.memory_space<vmem>> -> memref<576xi32, #tpu.memory_space<vmem>>
        %dma_wait3A_46 = arith.constant 999424 : i32
        %dma_wait3A_47 = tpu.memref_slice %arg3[%dma_wait3A_46] : memref<1000448xi32, #tpu.memory_space<hbm>> -> memref<576xi32, #tpu.memory_space<hbm>>
        tpu.wait_dma2 semaphore(%run_scoped3A : memref<!tpu.dma_semaphore, #tpu.memory_space<semaphore_mem>>) src(%dma_wait3A_47 : memref<576xi32, #tpu.memory_space<hbm>>) dst(%dma_wait3A_45 : memref<576xi32, #tpu.memory_space<vmem>>)
        tpu.yield
      }) : () -> ()
      %dma_start3A = arith.constant 0 : i32
      %dma_start3A_22 = tpu.memref_slice %arg6[%dma_start3A] : memref<8192xf32, #tpu.memory_space<vmem>> -> memref<576xf32, #tpu.memory_space<vmem>>
      %dma_start3A_23 = arith.constant 0 : i32
      %dma_start3A_24 = tpu.memref_slice %arg5[%dma_start3A_23] : memref<8192xi32, #tpu.memory_space<vmem>> -> memref<576xi32, #tpu.memory_space<vmem>>
      %dma_start3A_25 = arith.constant 0 : i32
      %dma_start3A_26 = tpu.memref_slice %arg2[%dma_start3A_25] : memref<819200xf32, #tpu.memory_space<hbm>> -> memref<819200xf32, #tpu.memory_space<hbm>>
      tpu.enqueue_indirect_dma source(%dma_start3A_26 : memref<819200xf32, #tpu.memory_space<hbm>>) target(%dma_start3A_22 : memref<576xf32, #tpu.memory_space<vmem>>) offsets(%dma_start3A_24 : memref<576xi32, #tpu.memory_space<vmem>>) semaphore(%arg7 : memref<!tpu.dma_semaphore, #tpu.memory_space<semaphore_mem>>)
      %dma_wait3A = arith.constant 0 : i32
      %dma_wait3A_27 = tpu.memref_slice %arg6[%dma_wait3A] : memref<8192xf32, #tpu.memory_space<vmem>> -> memref<576xf32, #tpu.memory_space<vmem>>
      %dma_wait3A_28 = arith.constant 0 : i32
      %dma_wait3A_29 = tpu.memref_slice %arg5[%dma_wait3A_28] : memref<8192xi32, #tpu.memory_space<vmem>> -> memref<576xi32, #tpu.memory_space<vmem>>
      %dma_wait3A_30 = arith.constant 0 : i32
      %dma_wait3A_31 = tpu.memref_slice %arg2[%dma_wait3A_30] : memref<819200xf32, #tpu.memory_space<hbm>> -> memref<819200xf32, #tpu.memory_space<hbm>>
      tpu.wait_indirect_dma semaphore(%arg7 : memref<!tpu.dma_semaphore, #tpu.memory_space<semaphore_mem>>) src(%dma_wait3A_31 : memref<819200xf32, #tpu.memory_space<hbm>>) dst(%dma_wait3A_27 : memref<576xf32, #tpu.memory_space<vmem>>)
      "tpu.region"() ({
        %run_scoped3A = tpu.sem_alloc : memref<!tpu.dma_semaphore, #tpu.memory_space<semaphore_mem>>
        %dma_start3A_32 = arith.constant 0 : i32
        %dma_start3A_33 = tpu.memref_slice %arg6[%dma_start3A_32] : memref<8192xf32, #tpu.memory_space<vmem>> -> memref<576xf32, #tpu.memory_space<vmem>>
        %dma_start3A_34 = arith.constant 999424 : i32
        %dma_start3A_35 = tpu.memref_slice %arg4[%dma_start3A_34] : memref<1000448xf32, #tpu.memory_space<hbm>> -> memref<576xf32, #tpu.memory_space<hbm>>
        %dma_start3A_36 = arith.constant 999424 : i32
        %dma_start3A_37 = tpu.memref_slice %arg4[%dma_start3A_36] : memref<1000448xf32, #tpu.memory_space<hbm>> -> memref<576xf32, #tpu.memory_space<hbm>>
        %dma_start3A_38 = arith.constant 0 : i32
        %dma_start3A_39 = tpu.memref_slice %arg6[%dma_start3A_38] : memref<8192xf32, #tpu.memory_space<vmem>> -> memref<576xf32, #tpu.memory_space<vmem>>
        tpu.enqueue_dma source(%dma_start3A_39 : memref<576xf32, #tpu.memory_space<vmem>>) target(%dma_start3A_37 : memref<576xf32, #tpu.memory_space<hbm>>) target_semaphore(%run_scoped3A : memref<!tpu.dma_semaphore, #tpu.memory_space<semaphore_mem>>)
        %dma_wait3A_40 = arith.constant 0 : i32
        %dma_wait3A_41 = tpu.memref_slice %arg6[%dma_wait3A_40] : memref<8192xf32, #tpu.memory_space<vmem>> -> memref<576xf32, #tpu.memory_space<vmem>>
        %dma_wait3A_42 = arith.constant 999424 : i32
        %dma_wait3A_43 = tpu.memref_slice %arg4[%dma_wait3A_42] : memref<1000448xf32, #tpu.memory_space<hbm>> -> memref<576xf32, #tpu.memory_space<hbm>>
        %dma_wait3A_44 = arith.constant 999424 : i32
        %dma_wait3A_45 = tpu.memref_slice %arg4[%dma_wait3A_44] : memref<1000448xf32, #tpu.memory_space<hbm>> -> memref<576xf32, #tpu.memory_space<hbm>>
        %dma_wait3A_46 = arith.constant 0 : i32
        %dma_wait3A_47 = tpu.memref_slice %arg6[%dma_wait3A_46] : memref<8192xf32, #tpu.memory_space<vmem>> -> memref<576xf32, #tpu.memory_space<vmem>>
        tpu.wait_dma2 semaphore(%run_scoped3A : memref<!tpu.dma_semaphore, #tpu.memory_space<semaphore_mem>>) src(%dma_wait3A_47 : memref<576xf32, #tpu.memory_space<vmem>>) dst(%dma_wait3A_45 : memref<576xf32, #tpu.memory_space<hbm>>)
        tpu.yield
      }) : () -> ()
    } else {
    }
    return
  }
}

#map = affine_map<(d0, d1) -> (0, 0)>
#map1 = affine_map<(d0, d1) -> (0)>
module attributes {stable_mosaic.version = 14 : i64} {
  func.func @k(%arg0: i32, %arg1: i32, %arg2: memref<200x100000xf32, #tpu.memory_space<hbm>>, %arg3: memref<4096xi32, #tpu.memory_space<hbm>>, %arg4: memref<32x200xf32, #tpu.memory_space<hbm>>, %arg5: memref<4096x256xf32, #tpu.memory_space<hbm>>, %arg6: memref<128xi32, #tpu.memory_space<vmem>>, %arg7: memref<200x128xf32, #tpu.memory_space<vmem>>, %arg8: memref<32x200xf32, #tpu.memory_space<vmem>>, %arg9: memref<128x128xf32, #tpu.memory_space<vmem>>, %arg10: memref<128x128xf32, #tpu.memory_space<vmem>>, %arg11: memref<!tpu.dma_semaphore, #tpu.memory_space<semaphore_mem>>) attributes {dimension_semantics = [#tpu.dimension_semantics<core_parallel>, #tpu.dimension_semantics<subcore_parallel>], iteration_bounds = array<i64: 2, 16>, scalar_prefetch = 0 : i64, scratch_operands = 6 : i64, tpu.core_type = #tpu.core_type<sc_vector_subcore>, window_params = [{transform_indices = #map}, {transform_indices = #map1}, {transform_indices = #map}, {transform_indices = #map}]} {
    %mul3A = arith.constant 2 : i32
    %mul3A_0 = arith.muli %arg1, %mul3A : i32
    %add3A = arith.addi %mul3A_0, %arg0 : i32
    %mul3A_1 = arith.constant 128 : i32
    %mul3A_2 = arith.muli %add3A, %mul3A_1 : i32
    "tpu.region"() ({
      %run_scoped3A = tpu.sem_alloc : memref<!tpu.dma_semaphore, #tpu.memory_space<semaphore_mem>>
      %dma_start3A = tpu.memref_slice %arg3[%mul3A_2] : memref<4096xi32, #tpu.memory_space<hbm>> -> memref<128xi32, #tpu.memory_space<hbm>>
      %dma_start3A_12 = tpu.memref_slice %arg3[%mul3A_2] : memref<4096xi32, #tpu.memory_space<hbm>> -> memref<128xi32, #tpu.memory_space<hbm>>
      tpu.enqueue_dma source(%dma_start3A_12 : memref<128xi32, #tpu.memory_space<hbm>>) target(%arg6 : memref<128xi32, #tpu.memory_space<vmem>>) target_semaphore(%run_scoped3A : memref<!tpu.dma_semaphore, #tpu.memory_space<semaphore_mem>>)
      %dma_wait3A = tpu.memref_slice %arg3[%mul3A_2] : memref<4096xi32, #tpu.memory_space<hbm>> -> memref<128xi32, #tpu.memory_space<hbm>>
      %dma_wait3A_13 = tpu.memref_slice %arg3[%mul3A_2] : memref<4096xi32, #tpu.memory_space<hbm>> -> memref<128xi32, #tpu.memory_space<hbm>>
      tpu.wait_dma2 semaphore(%run_scoped3A : memref<!tpu.dma_semaphore, #tpu.memory_space<semaphore_mem>>) src(%dma_wait3A_13 : memref<128xi32, #tpu.memory_space<hbm>>) dst(%arg6 : memref<128xi32, #tpu.memory_space<vmem>>)
      tpu.yield
    }) : () -> ()
    "tpu.region"() ({
      %run_scoped3A = tpu.sem_alloc : memref<!tpu.dma_semaphore, #tpu.memory_space<semaphore_mem>>
      tpu.enqueue_dma source(%arg4 : memref<32x200xf32, #tpu.memory_space<hbm>>) target(%arg8 : memref<32x200xf32, #tpu.memory_space<vmem>>) target_semaphore(%run_scoped3A : memref<!tpu.dma_semaphore, #tpu.memory_space<semaphore_mem>>)
      tpu.wait_dma2 semaphore(%run_scoped3A : memref<!tpu.dma_semaphore, #tpu.memory_space<semaphore_mem>>) src(%arg4 : memref<32x200xf32, #tpu.memory_space<hbm>>) dst(%arg8 : memref<32x200xf32, #tpu.memory_space<vmem>>)
      tpu.yield
    }) : () -> ()
    %iota3A = tpu.iota {dimensions = array<i32: 0>} : vector<16xi32>
    %mul3A_3 = arith.constant 0 : i32
    %mul3A_4 = vector.broadcast %mul3A_3 : i32 to vector<16xi32>
    %mul3A_5 = arith.muli %iota3A, %mul3A_4 : vector<16xi32>
    %scan3A = arith.constant -1 : i32
    %scan3A_6 = arith.constant 0 : i32
    %scan3A_7 = arith.constant 128 : i32
    %scan3A_8 = arith.addi %scan3A_6, %scan3A_7 : i32
    %scan3A_9 = arith.constant 1 : i32
    %scan3A_10 = scf.for %scan3A_12 = %scan3A_6 to %scan3A_8 step %scan3A_9 iter_args(%scan3A_13 = %scan3A) -> (i32)  : i32 {
      %add3A_14 = vector.broadcast %scan3A_12 : i32 to vector<16xi32>
      %add3A_15 = arith.addi %mul3A_5, %add3A_14 : vector<16xi32>
      %gather3A = tpu.vector_load_idx %arg6[%add3A_15] : memref<128xi32, #tpu.memory_space<vmem>>[vector<16xi32>], vector<16xi32>,
      %reduce_max3A = arith.constant true
      %reduce_max3A_16 = vector.broadcast %reduce_max3A : i1 to vector<16xi1>
      %reduce_max3A_17 = arith.constant -2147483648 : i32
      %reduce_max3A_18 = vector.broadcast %reduce_max3A_17 : i32 to vector<16xi32>
      %reduce_max3A_19 = arith.xori %gather3A, %reduce_max3A_18 : vector<16xi32>
      %reduce_max3A_20 = tpu.scan <max>, %reduce_max3A_19 masked %reduce_max3A_16 : vector<16xi32>, vector<16xi1> -> vector<16xi32>
      %reduce_max3A_21 = arith.xori %reduce_max3A_20, %reduce_max3A_18 : vector<16xi32>
      %reduce_max3A_22 = vector.extract %reduce_max3A_21[15] : i32 from vector<16xi32>
      %shift_right_arithmetic3A = arith.constant 7 : i32
      %shift_right_arithmetic3A_23 = arith.shrsi %reduce_max3A_22, %shift_right_arithmetic3A : i32
      %ne3A = arith.cmpi ne, %shift_right_arithmetic3A_23, %scan3A_13 : i32
      %lt3A = arith.constant 99968 : i32
      %lt3A_24 = arith.cmpi slt, %reduce_max3A_22, %lt3A : i32
      %and3A = arith.andi %ne3A, %lt3A_24 : i1
      %convert_element_type3A = arith.extui %and3A : i1 to i32
      %cond3A = arith.constant 0 : i32
      %cond3A_25 = arith.cmpi ne, %convert_element_type3A, %cond3A : i32
      scf.if %cond3A_25 {
        %mul3A_37 = arith.constant 128 : i32
        %mul3A_38 = arith.muli %shift_right_arithmetic3A_23, %mul3A_37 : i32
        "tpu.region"() ({
          %run_scoped3A = tpu.sem_alloc : memref<!tpu.dma_semaphore, #tpu.memory_space<semaphore_mem>>
          %dma_start3A = arith.constant 0 : i32
          %dma_start3A_39 = tpu.memref_slice %arg2[%dma_start3A, %mul3A_38] : memref<200x100000xf32, #tpu.memory_space<hbm>> -> memref<200x128xf32, #tpu.memory_space<hbm>>
          %dma_start3A_40 = arith.constant 0 : i32
          %dma_start3A_41 = tpu.memref_slice %arg2[%dma_start3A_40, %mul3A_38] : memref<200x100000xf32, #tpu.memory_space<hbm>> -> memref<200x128xf32, #tpu.memory_space<hbm>>
          tpu.enqueue_dma source(%dma_start3A_41 : memref<200x128xf32, #tpu.memory_space<hbm>>) target(%arg7 : memref<200x128xf32, #tpu.memory_space<vmem>>) target_semaphore(%run_scoped3A : memref<!tpu.dma_semaphore, #tpu.memory_space<semaphore_mem>>)
          %dma_wait3A = arith.constant 0 : i32
          %dma_wait3A_42 = tpu.memref_slice %arg2[%dma_wait3A, %mul3A_38] : memref<200x100000xf32, #tpu.memory_space<hbm>> -> memref<200x128xf32, #tpu.memory_space<hbm>>
          %dma_wait3A_43 = arith.constant 0 : i32
          %dma_wait3A_44 = tpu.memref_slice %arg2[%dma_wait3A_43, %mul3A_38] : memref<200x100000xf32, #tpu.memory_space<hbm>> -> memref<200x128xf32, #tpu.memory_space<hbm>>
          tpu.wait_dma2 semaphore(%run_scoped3A : memref<!tpu.dma_semaphore, #tpu.memory_space<semaphore_mem>>) src(%dma_wait3A_44 : memref<200x128xf32, #tpu.memory_space<hbm>>) dst(%arg7 : memref<200x128xf32, #tpu.memory_space<vmem>>)
          tpu.yield
        }) : () -> ()
      } else {
      }
      %lt3A_26 = arith.constant 99968 : i32
      %lt3A_27 = arith.cmpi slt, %reduce_max3A_22, %lt3A_26 : i32
      %convert_element_type3A_28 = arith.extui %lt3A_27 : i1 to i32
      %cond3A_29 = arith.constant 0 : i32
      %cond3A_30 = arith.cmpi ne, %convert_element_type3A_28, %cond3A_29 : i32
      scf.if %cond3A_30 {
        %and3A_37 = arith.constant 127 : i32
        %and3A_38 = arith.andi %reduce_max3A_22, %and3A_37 : i32
        %add3A_39 = vector.broadcast %and3A_38 : i32 to vector<16xi32>
        %add3A_40 = arith.addi %mul3A_5, %add3A_39 : vector<16xi32>
        %add3A_41 = arith.constant 0 : i32
        %add3A_42 = vector.broadcast %add3A_41 : i32 to vector<16xi32>
        %add3A_43 = arith.addi %add3A_42, %iota3A : vector<16xi32>
        %gather3A_44 = tpu.vector_load_idx %arg7[%add3A_43, %add3A_40] : memref<200x128xf32, #tpu.memory_space<vmem>>[vector<16xi32>, vector<16xi32>], vector<16xf32>,
        %swap3A = arith.index_cast %scan3A_12 : i32 to index
        %swap3A_45 = arith.constant 0 : index
        %swap3A_46 = tpu.vector_load %arg9[%swap3A, %swap3A_45] {strides = array<i32>} : memref<128x128xf32, #tpu.memory_space<vmem>>, vector<16xf32>,
        tpu.vector_store %arg9[%swap3A, %swap3A_45], %gather3A_44 {strides = array<i32>} : memref<128x128xf32, #tpu.memory_space<vmem>>, vector<16xf32>,
        %add3A_47 = arith.constant 16 : i32
        %add3A_48 = vector.broadcast %add3A_47 : i32 to vector<16xi32>
        %add3A_49 = arith.addi %add3A_48, %iota3A : vector<16xi32>
        %gather3A_50 = tpu.vector_load_idx %arg7[%add3A_49, %add3A_40] : memref<200x128xf32, #tpu.memory_space<vmem>>[vector<16xi32>, vector<16xi32>], vector<16xf32>,
        %swap3A_51 = arith.index_cast %scan3A_12 : i32 to index
        %swap3A_52 = arith.constant 16 : index
        %swap3A_53 = tpu.vector_load %arg9[%swap3A_51, %swap3A_52] {strides = array<i32>} : memref<128x128xf32, #tpu.memory_space<vmem>>, vector<16xf32>,
        tpu.vector_store %arg9[%swap3A_51, %swap3A_52], %gather3A_50 {strides = array<i32>} : memref<128x128xf32, #tpu.memory_space<vmem>>, vector<16xf32>,
        %add3A_54 = arith.constant 32 : i32
        %add3A_55 = vector.broadcast %add3A_54 : i32 to vector<16xi32>
        %add3A_56 = arith.addi %add3A_55, %iota3A : vector<16xi32>
        %gather3A_57 = tpu.vector_load_idx %arg7[%add3A_56, %add3A_40] : memref<200x128xf32, #tpu.memory_space<vmem>>[vector<16xi32>, vector<16xi32>], vector<16xf32>,
        %swap3A_58 = arith.index_cast %scan3A_12 : i32 to index
        %swap3A_59 = arith.constant 32 : index
        %swap3A_60 = tpu.vector_load %arg9[%swap3A_58, %swap3A_59] {strides = array<i32>} : memref<128x128xf32, #tpu.memory_space<vmem>>, vector<16xf32>,
        tpu.vector_store %arg9[%swap3A_58, %swap3A_59], %gather3A_57 {strides = array<i32>} : memref<128x128xf32, #tpu.memory_space<vmem>>, vector<16xf32>,
        %add3A_61 = arith.constant 48 : i32
        %add3A_62 = vector.broadcast %add3A_61 : i32 to vector<16xi32>
        %add3A_63 = arith.addi %add3A_62, %iota3A : vector<16xi32>
        %gather3A_64 = tpu.vector_load_idx %arg7[%add3A_63, %add3A_40] : memref<200x128xf32, #tpu.memory_space<vmem>>[vector<16xi32>, vector<16xi32>], vector<16xf32>,
        %swap3A_65 = arith.index_cast %scan3A_12 : i32 to index
        %swap3A_66 = arith.constant 48 : index
        %swap3A_67 = tpu.vector_load %arg9[%swap3A_65, %swap3A_66] {strides = array<i32>} : memref<128x128xf32, #tpu.memory_space<vmem>>, vector<16xf32>,
        tpu.vector_store %arg9[%swap3A_65, %swap3A_66], %gather3A_64 {strides = array<i32>} : memref<128x128xf32, #tpu.memory_space<vmem>>, vector<16xf32>,
        %add3A_68 = arith.constant 64 : i32
        %add3A_69 = vector.broadcast %add3A_68 : i32 to vector<16xi32>
        %add3A_70 = arith.addi %add3A_69, %iota3A : vector<16xi32>
        %gather3A_71 = tpu.vector_load_idx %arg7[%add3A_70, %add3A_40] : memref<200x128xf32, #tpu.memory_space<vmem>>[vector<16xi32>, vector<16xi32>], vector<16xf32>,
        %swap3A_72 = arith.index_cast %scan3A_12 : i32 to index
        %swap3A_73 = arith.constant 64 : index
        %swap3A_74 = tpu.vector_load %arg9[%swap3A_72, %swap3A_73] {strides = array<i32>} : memref<128x128xf32, #tpu.memory_space<vmem>>, vector<16xf32>,
        tpu.vector_store %arg9[%swap3A_72, %swap3A_73], %gather3A_71 {strides = array<i32>} : memref<128x128xf32, #tpu.memory_space<vmem>>, vector<16xf32>,
        %add3A_75 = arith.constant 80 : i32
        %add3A_76 = vector.broadcast %add3A_75 : i32 to vector<16xi32>
        %add3A_77 = arith.addi %add3A_76, %iota3A : vector<16xi32>
        %gather3A_78 = tpu.vector_load_idx %arg7[%add3A_77, %add3A_40] : memref<200x128xf32, #tpu.memory_space<vmem>>[vector<16xi32>, vector<16xi32>], vector<16xf32>,
        %swap3A_79 = arith.index_cast %scan3A_12 : i32 to index
        %swap3A_80 = arith.constant 80 : index
        %swap3A_81 = tpu.vector_load %arg9[%swap3A_79, %swap3A_80] {strides = array<i32>} : memref<128x128xf32, #tpu.memory_space<vmem>>, vector<16xf32>,
        tpu.vector_store %arg9[%swap3A_79, %swap3A_80], %gather3A_78 {strides = array<i32>} : memref<128x128xf32, #tpu.memory_space<vmem>>, vector<16xf32>,
        %add3A_82 = arith.constant 96 : i32
        %add3A_83 = vector.broadcast %add3A_82 : i32 to vector<16xi32>
        %add3A_84 = arith.addi %add3A_83, %iota3A : vector<16xi32>
        %gather3A_85 = tpu.vector_load_idx %arg7[%add3A_84, %add3A_40] : memref<200x128xf32, #tpu.memory_space<vmem>>[vector<16xi32>, vector<16xi32>], vector<16xf32>,
        %swap3A_86 = arith.index_cast %scan3A_12 : i32 to index
        %swap3A_87 = arith.constant 96 : index
        %swap3A_88 = tpu.vector_load %arg9[%swap3A_86, %swap3A_87] {strides = array<i32>} : memref<128x128xf32, #tpu.memory_space<vmem>>, vector<16xf32>,
        tpu.vector_store %arg9[%swap3A_86, %swap3A_87], %gather3A_85 {strides = array<i32>} : memref<128x128xf32, #tpu.memory_space<vmem>>, vector<16xf32>,
        %add3A_89 = arith.constant 112 : i32
        %add3A_90 = vector.broadcast %add3A_89 : i32 to vector<16xi32>
        %add3A_91 = arith.addi %add3A_90, %iota3A : vector<16xi32>
        %gather3A_92 = tpu.vector_load_idx %arg7[%add3A_91, %add3A_40] : memref<200x128xf32, #tpu.memory_space<vmem>>[vector<16xi32>, vector<16xi32>], vector<16xf32>,
        %swap3A_93 = arith.index_cast %scan3A_12 : i32 to index
        %swap3A_94 = arith.constant 112 : index
        %swap3A_95 = tpu.vector_load %arg9[%swap3A_93, %swap3A_94] {strides = array<i32>} : memref<128x128xf32, #tpu.memory_space<vmem>>, vector<16xf32>,
        tpu.vector_store %arg9[%swap3A_93, %swap3A_94], %gather3A_92 {strides = array<i32>} : memref<128x128xf32, #tpu.memory_space<vmem>>, vector<16xf32>,
        %add3A_96 = arith.constant 128 : i32
        %add3A_97 = vector.broadcast %add3A_96 : i32 to vector<16xi32>
        %add3A_98 = arith.addi %add3A_97, %iota3A : vector<16xi32>
        %gather3A_99 = tpu.vector_load_idx %arg7[%add3A_98, %add3A_40] : memref<200x128xf32, #tpu.memory_space<vmem>>[vector<16xi32>, vector<16xi32>], vector<16xf32>,
        %swap3A_100 = arith.index_cast %scan3A_12 : i32 to index
        %swap3A_101 = arith.constant 0 : index
        %swap3A_102 = tpu.vector_load %arg10[%swap3A_100, %swap3A_101] {strides = array<i32>} : memref<128x128xf32, #tpu.memory_space<vmem>>, vector<16xf32>,
        tpu.vector_store %arg10[%swap3A_100, %swap3A_101], %gather3A_99 {strides = array<i32>} : memref<128x128xf32, #tpu.memory_space<vmem>>, vector<16xf32>,
        %add3A_103 = arith.constant 144 : i32
        %add3A_104 = vector.broadcast %add3A_103 : i32 to vector<16xi32>
        %add3A_105 = arith.addi %add3A_104, %iota3A : vector<16xi32>
        %gather3A_106 = tpu.vector_load_idx %arg7[%add3A_105, %add3A_40] : memref<200x128xf32, #tpu.memory_space<vmem>>[vector<16xi32>, vector<16xi32>], vector<16xf32>,
        %swap3A_107 = arith.index_cast %scan3A_12 : i32 to index
        %swap3A_108 = arith.constant 16 : index
        %swap3A_109 = tpu.vector_load %arg10[%swap3A_107, %swap3A_108] {strides = array<i32>} : memref<128x128xf32, #tpu.memory_space<vmem>>, vector<16xf32>,
        tpu.vector_store %arg10[%swap3A_107, %swap3A_108], %gather3A_106 {strides = array<i32>} : memref<128x128xf32, #tpu.memory_space<vmem>>, vector<16xf32>,
        %add3A_110 = arith.constant 160 : i32
        %add3A_111 = vector.broadcast %add3A_110 : i32 to vector<16xi32>
        %add3A_112 = arith.addi %add3A_111, %iota3A : vector<16xi32>
        %gather3A_113 = tpu.vector_load_idx %arg7[%add3A_112, %add3A_40] : memref<200x128xf32, #tpu.memory_space<vmem>>[vector<16xi32>, vector<16xi32>], vector<16xf32>,
        %swap3A_114 = arith.index_cast %scan3A_12 : i32 to index
        %swap3A_115 = arith.constant 32 : index
        %swap3A_116 = tpu.vector_load %arg10[%swap3A_114, %swap3A_115] {strides = array<i32>} : memref<128x128xf32, #tpu.memory_space<vmem>>, vector<16xf32>,
        tpu.vector_store %arg10[%swap3A_114, %swap3A_115], %gather3A_113 {strides = array<i32>} : memref<128x128xf32, #tpu.memory_space<vmem>>, vector<16xf32>,
        %add3A_117 = arith.constant 176 : i32
        %add3A_118 = vector.broadcast %add3A_117 : i32 to vector<16xi32>
        %add3A_119 = arith.addi %add3A_118, %iota3A : vector<16xi32>
        %gather3A_120 = tpu.vector_load_idx %arg7[%add3A_119, %add3A_40] : memref<200x128xf32, #tpu.memory_space<vmem>>[vector<16xi32>, vector<16xi32>], vector<16xf32>,
        %swap3A_121 = arith.index_cast %scan3A_12 : i32 to index
        %swap3A_122 = arith.constant 48 : index
        %swap3A_123 = tpu.vector_load %arg10[%swap3A_121, %swap3A_122] {strides = array<i32>} : memref<128x128xf32, #tpu.memory_space<vmem>>, vector<16xf32>,
        tpu.vector_store %arg10[%swap3A_121, %swap3A_122], %gather3A_120 {strides = array<i32>} : memref<128x128xf32, #tpu.memory_space<vmem>>, vector<16xf32>,
        %add3A_124 = arith.constant 184 : i32
        %add3A_125 = vector.broadcast %add3A_124 : i32 to vector<16xi32>
        %add3A_126 = arith.addi %add3A_125, %iota3A : vector<16xi32>
        %gather3A_127 = tpu.vector_load_idx %arg7[%add3A_126, %add3A_40] : memref<200x128xf32, #tpu.memory_space<vmem>>[vector<16xi32>, vector<16xi32>], vector<16xf32>,
        %swap3A_128 = arith.index_cast %scan3A_12 : i32 to index
        %swap3A_129 = arith.constant 56 : index
        %swap3A_130 = tpu.vector_load %arg10[%swap3A_128, %swap3A_129] {strides = array<i32>} : memref<128x128xf32, #tpu.memory_space<vmem>>, vector<16xf32>,
        tpu.vector_store %arg10[%swap3A_128, %swap3A_129], %gather3A_127 {strides = array<i32>} : memref<128x128xf32, #tpu.memory_space<vmem>>, vector<16xf32>,
      } else {
      }
      %ge3A = arith.constant 99968 : i32
      %ge3A_31 = arith.cmpi sge, %reduce_max3A_22, %ge3A : i32
      %convert_element_type3A_32 = arith.extui %ge3A_31 : i1 to i32
      %cond3A_33 = arith.constant 0 : i32
      %cond3A_34 = arith.cmpi ne, %convert_element_type3A_32, %cond3A_33 : i32
      scf.if %cond3A_34 {
        %sub3A = arith.constant 99968 : i32
        %sub3A_37 = arith.subi %reduce_max3A_22, %sub3A : i32
        %add3A_38 = vector.broadcast %sub3A_37 : i32 to vector<16xi32>
        %add3A_39 = arith.addi %mul3A_5, %add3A_38 : vector<16xi32>
        %add3A_40 = arith.constant 0 : i32
        %add3A_41 = vector.broadcast %add3A_40 : i32 to vector<16xi32>
        %add3A_42 = arith.addi %add3A_41, %iota3A : vector<16xi32>
        %gather3A_43 = tpu.vector_load_idx %arg8[%add3A_39, %add3A_42] : memref<32x200xf32, #tpu.memory_space<vmem>>[vector<16xi32>, vector<16xi32>], vector<16xf32>,
        %swap3A = arith.index_cast %scan3A_12 : i32 to index
        %swap3A_44 = arith.constant 0 : index
        %swap3A_45 = tpu.vector_load %arg9[%swap3A, %swap3A_44] {strides = array<i32>} : memref<128x128xf32, #tpu.memory_space<vmem>>, vector<16xf32>,
        tpu.vector_store %arg9[%swap3A, %swap3A_44], %gather3A_43 {strides = array<i32>} : memref<128x128xf32, #tpu.memory_space<vmem>>, vector<16xf32>,
        %add3A_46 = vector.broadcast %sub3A_37 : i32 to vector<16xi32>
        %add3A_47 = arith.addi %mul3A_5, %add3A_46 : vector<16xi32>
        %add3A_48 = arith.constant 16 : i32
        %add3A_49 = vector.broadcast %add3A_48 : i32 to vector<16xi32>
        %add3A_50 = arith.addi %add3A_49, %iota3A : vector<16xi32>
        %gather3A_51 = tpu.vector_load_idx %arg8[%add3A_47, %add3A_50] : memref<32x200xf32, #tpu.memory_space<vmem>>[vector<16xi32>, vector<16xi32>], vector<16xf32>,
        %swap3A_52 = arith.index_cast %scan3A_12 : i32 to index
        %swap3A_53 = arith.constant 16 : index
        %swap3A_54 = tpu.vector_load %arg9[%swap3A_52, %swap3A_53] {strides = array<i32>} : memref<128x128xf32, #tpu.memory_space<vmem>>, vector<16xf32>,
        tpu.vector_store %arg9[%swap3A_52, %swap3A_53], %gather3A_51 {strides = array<i32>} : memref<128x128xf32, #tpu.memory_space<vmem>>, vector<16xf32>,
        %add3A_55 = vector.broadcast %sub3A_37 : i32 to vector<16xi32>
        %add3A_56 = arith.addi %mul3A_5, %add3A_55 : vector<16xi32>
        %add3A_57 = arith.constant 32 : i32
        %add3A_58 = vector.broadcast %add3A_57 : i32 to vector<16xi32>
        %add3A_59 = arith.addi %add3A_58, %iota3A : vector<16xi32>
        %gather3A_60 = tpu.vector_load_idx %arg8[%add3A_56, %add3A_59] : memref<32x200xf32, #tpu.memory_space<vmem>>[vector<16xi32>, vector<16xi32>], vector<16xf32>,
        %swap3A_61 = arith.index_cast %scan3A_12 : i32 to index
        %swap3A_62 = arith.constant 32 : index
        %swap3A_63 = tpu.vector_load %arg9[%swap3A_61, %swap3A_62] {strides = array<i32>} : memref<128x128xf32, #tpu.memory_space<vmem>>, vector<16xf32>,
        tpu.vector_store %arg9[%swap3A_61, %swap3A_62], %gather3A_60 {strides = array<i32>} : memref<128x128xf32, #tpu.memory_space<vmem>>, vector<16xf32>,
        %add3A_64 = vector.broadcast %sub3A_37 : i32 to vector<16xi32>
        %add3A_65 = arith.addi %mul3A_5, %add3A_64 : vector<16xi32>
        %add3A_66 = arith.constant 48 : i32
        %add3A_67 = vector.broadcast %add3A_66 : i32 to vector<16xi32>
        %add3A_68 = arith.addi %add3A_67, %iota3A : vector<16xi32>
        %gather3A_69 = tpu.vector_load_idx %arg8[%add3A_65, %add3A_68] : memref<32x200xf32, #tpu.memory_space<vmem>>[vector<16xi32>, vector<16xi32>], vector<16xf32>,
        %swap3A_70 = arith.index_cast %scan3A_12 : i32 to index
        %swap3A_71 = arith.constant 48 : index
        %swap3A_72 = tpu.vector_load %arg9[%swap3A_70, %swap3A_71] {strides = array<i32>} : memref<128x128xf32, #tpu.memory_space<vmem>>, vector<16xf32>,
        tpu.vector_store %arg9[%swap3A_70, %swap3A_71], %gather3A_69 {strides = array<i32>} : memref<128x128xf32, #tpu.memory_space<vmem>>, vector<16xf32>,
        %add3A_73 = vector.broadcast %sub3A_37 : i32 to vector<16xi32>
        %add3A_74 = arith.addi %mul3A_5, %add3A_73 : vector<16xi32>
        %add3A_75 = arith.constant 64 : i32
        %add3A_76 = vector.broadcast %add3A_75 : i32 to vector<16xi32>
        %add3A_77 = arith.addi %add3A_76, %iota3A : vector<16xi32>
        %gather3A_78 = tpu.vector_load_idx %arg8[%add3A_74, %add3A_77] : memref<32x200xf32, #tpu.memory_space<vmem>>[vector<16xi32>, vector<16xi32>], vector<16xf32>,
        %swap3A_79 = arith.index_cast %scan3A_12 : i32 to index
        %swap3A_80 = arith.constant 64 : index
        %swap3A_81 = tpu.vector_load %arg9[%swap3A_79, %swap3A_80] {strides = array<i32>} : memref<128x128xf32, #tpu.memory_space<vmem>>, vector<16xf32>,
        tpu.vector_store %arg9[%swap3A_79, %swap3A_80], %gather3A_78 {strides = array<i32>} : memref<128x128xf32, #tpu.memory_space<vmem>>, vector<16xf32>,
        %add3A_82 = vector.broadcast %sub3A_37 : i32 to vector<16xi32>
        %add3A_83 = arith.addi %mul3A_5, %add3A_82 : vector<16xi32>
        %add3A_84 = arith.constant 80 : i32
        %add3A_85 = vector.broadcast %add3A_84 : i32 to vector<16xi32>
        %add3A_86 = arith.addi %add3A_85, %iota3A : vector<16xi32>
        %gather3A_87 = tpu.vector_load_idx %arg8[%add3A_83, %add3A_86] : memref<32x200xf32, #tpu.memory_space<vmem>>[vector<16xi32>, vector<16xi32>], vector<16xf32>,
        %swap3A_88 = arith.index_cast %scan3A_12 : i32 to index
        %swap3A_89 = arith.constant 80 : index
        %swap3A_90 = tpu.vector_load %arg9[%swap3A_88, %swap3A_89] {strides = array<i32>} : memref<128x128xf32, #tpu.memory_space<vmem>>, vector<16xf32>,
        tpu.vector_store %arg9[%swap3A_88, %swap3A_89], %gather3A_87 {strides = array<i32>} : memref<128x128xf32, #tpu.memory_space<vmem>>, vector<16xf32>,
        %add3A_91 = vector.broadcast %sub3A_37 : i32 to vector<16xi32>
        %add3A_92 = arith.addi %mul3A_5, %add3A_91 : vector<16xi32>
        %add3A_93 = arith.constant 96 : i32
        %add3A_94 = vector.broadcast %add3A_93 : i32 to vector<16xi32>
        %add3A_95 = arith.addi %add3A_94, %iota3A : vector<16xi32>
        %gather3A_96 = tpu.vector_load_idx %arg8[%add3A_92, %add3A_95] : memref<32x200xf32, #tpu.memory_space<vmem>>[vector<16xi32>, vector<16xi32>], vector<16xf32>,
        %swap3A_97 = arith.index_cast %scan3A_12 : i32 to index
        %swap3A_98 = arith.constant 96 : index
        %swap3A_99 = tpu.vector_load %arg9[%swap3A_97, %swap3A_98] {strides = array<i32>} : memref<128x128xf32, #tpu.memory_space<vmem>>, vector<16xf32>,
        tpu.vector_store %arg9[%swap3A_97, %swap3A_98], %gather3A_96 {strides = array<i32>} : memref<128x128xf32, #tpu.memory_space<vmem>>, vector<16xf32>,
        %add3A_100 = vector.broadcast %sub3A_37 : i32 to vector<16xi32>
        %add3A_101 = arith.addi %mul3A_5, %add3A_100 : vector<16xi32>
        %add3A_102 = arith.constant 112 : i32
        %add3A_103 = vector.broadcast %add3A_102 : i32 to vector<16xi32>
        %add3A_104 = arith.addi %add3A_103, %iota3A : vector<16xi32>
        %gather3A_105 = tpu.vector_load_idx %arg8[%add3A_101, %add3A_104] : memref<32x200xf32, #tpu.memory_space<vmem>>[vector<16xi32>, vector<16xi32>], vector<16xf32>,
        %swap3A_106 = arith.index_cast %scan3A_12 : i32 to index
        %swap3A_107 = arith.constant 112 : index
        %swap3A_108 = tpu.vector_load %arg9[%swap3A_106, %swap3A_107] {strides = array<i32>} : memref<128x128xf32, #tpu.memory_space<vmem>>, vector<16xf32>,
        tpu.vector_store %arg9[%swap3A_106, %swap3A_107], %gather3A_105 {strides = array<i32>} : memref<128x128xf32, #tpu.memory_space<vmem>>, vector<16xf32>,
        %add3A_109 = vector.broadcast %sub3A_37 : i32 to vector<16xi32>
        %add3A_110 = arith.addi %mul3A_5, %add3A_109 : vector<16xi32>
        %add3A_111 = arith.constant 128 : i32
        %add3A_112 = vector.broadcast %add3A_111 : i32 to vector<16xi32>
        %add3A_113 = arith.addi %add3A_112, %iota3A : vector<16xi32>
        %gather3A_114 = tpu.vector_load_idx %arg8[%add3A_110, %add3A_113] : memref<32x200xf32, #tpu.memory_space<vmem>>[vector<16xi32>, vector<16xi32>], vector<16xf32>,
        %swap3A_115 = arith.index_cast %scan3A_12 : i32 to index
        %swap3A_116 = arith.constant 0 : index
        %swap3A_117 = tpu.vector_load %arg10[%swap3A_115, %swap3A_116] {strides = array<i32>} : memref<128x128xf32, #tpu.memory_space<vmem>>, vector<16xf32>,
        tpu.vector_store %arg10[%swap3A_115, %swap3A_116], %gather3A_114 {strides = array<i32>} : memref<128x128xf32, #tpu.memory_space<vmem>>, vector<16xf32>,
        %add3A_118 = vector.broadcast %sub3A_37 : i32 to vector<16xi32>
        %add3A_119 = arith.addi %mul3A_5, %add3A_118 : vector<16xi32>
        %add3A_120 = arith.constant 144 : i32
        %add3A_121 = vector.broadcast %add3A_120 : i32 to vector<16xi32>
        %add3A_122 = arith.addi %add3A_121, %iota3A : vector<16xi32>
        %gather3A_123 = tpu.vector_load_idx %arg8[%add3A_119, %add3A_122] : memref<32x200xf32, #tpu.memory_space<vmem>>[vector<16xi32>, vector<16xi32>], vector<16xf32>,
        %swap3A_124 = arith.index_cast %scan3A_12 : i32 to index
        %swap3A_125 = arith.constant 16 : index
        %swap3A_126 = tpu.vector_load %arg10[%swap3A_124, %swap3A_125] {strides = array<i32>} : memref<128x128xf32, #tpu.memory_space<vmem>>, vector<16xf32>,
        tpu.vector_store %arg10[%swap3A_124, %swap3A_125], %gather3A_123 {strides = array<i32>} : memref<128x128xf32, #tpu.memory_space<vmem>>, vector<16xf32>,
        %add3A_127 = vector.broadcast %sub3A_37 : i32 to vector<16xi32>
        %add3A_128 = arith.addi %mul3A_5, %add3A_127 : vector<16xi32>
        %add3A_129 = arith.constant 160 : i32
        %add3A_130 = vector.broadcast %add3A_129 : i32 to vector<16xi32>
        %add3A_131 = arith.addi %add3A_130, %iota3A : vector<16xi32>
        %gather3A_132 = tpu.vector_load_idx %arg8[%add3A_128, %add3A_131] : memref<32x200xf32, #tpu.memory_space<vmem>>[vector<16xi32>, vector<16xi32>], vector<16xf32>,
        %swap3A_133 = arith.index_cast %scan3A_12 : i32 to index
        %swap3A_134 = arith.constant 32 : index
        %swap3A_135 = tpu.vector_load %arg10[%swap3A_133, %swap3A_134] {strides = array<i32>} : memref<128x128xf32, #tpu.memory_space<vmem>>, vector<16xf32>,
        tpu.vector_store %arg10[%swap3A_133, %swap3A_134], %gather3A_132 {strides = array<i32>} : memref<128x128xf32, #tpu.memory_space<vmem>>, vector<16xf32>,
        %add3A_136 = vector.broadcast %sub3A_37 : i32 to vector<16xi32>
        %add3A_137 = arith.addi %mul3A_5, %add3A_136 : vector<16xi32>
        %add3A_138 = arith.constant 176 : i32
        %add3A_139 = vector.broadcast %add3A_138 : i32 to vector<16xi32>
        %add3A_140 = arith.addi %add3A_139, %iota3A : vector<16xi32>
        %gather3A_141 = tpu.vector_load_idx %arg8[%add3A_137, %add3A_140] : memref<32x200xf32, #tpu.memory_space<vmem>>[vector<16xi32>, vector<16xi32>], vector<16xf32>,
        %swap3A_142 = arith.index_cast %scan3A_12 : i32 to index
        %swap3A_143 = arith.constant 48 : index
        %swap3A_144 = tpu.vector_load %arg10[%swap3A_142, %swap3A_143] {strides = array<i32>} : memref<128x128xf32, #tpu.memory_space<vmem>>, vector<16xf32>,
        tpu.vector_store %arg10[%swap3A_142, %swap3A_143], %gather3A_141 {strides = array<i32>} : memref<128x128xf32, #tpu.memory_space<vmem>>, vector<16xf32>,
        %add3A_145 = vector.broadcast %sub3A_37 : i32 to vector<16xi32>
        %add3A_146 = arith.addi %mul3A_5, %add3A_145 : vector<16xi32>
        %add3A_147 = arith.constant 184 : i32
        %add3A_148 = vector.broadcast %add3A_147 : i32 to vector<16xi32>
        %add3A_149 = arith.addi %add3A_148, %iota3A : vector<16xi32>
        %gather3A_150 = tpu.vector_load_idx %arg8[%add3A_146, %add3A_149] : memref<32x200xf32, #tpu.memory_space<vmem>>[vector<16xi32>, vector<16xi32>], vector<16xf32>,
        %swap3A_151 = arith.index_cast %scan3A_12 : i32 to index
        %swap3A_152 = arith.constant 56 : index
        %swap3A_153 = tpu.vector_load %arg10[%swap3A_151, %swap3A_152] {strides = array<i32>} : memref<128x128xf32, #tpu.memory_space<vmem>>, vector<16xf32>,
        tpu.vector_store %arg10[%swap3A_151, %swap3A_152], %gather3A_150 {strides = array<i32>} : memref<128x128xf32, #tpu.memory_space<vmem>>, vector<16xf32>,
      } else {
      }
      %lt3A_35 = arith.constant 99968 : i32
      %lt3A_36 = arith.cmpi slt, %reduce_max3A_22, %lt3A_35 : i32
      %select_n3A = arith.select %lt3A_36, %shift_right_arithmetic3A_23, %scan3A_13 : i32
      scf.yield %select_n3A : i32
    }
    %scan3A_11 = arith.constant 128 : i32
    "tpu.region"() ({
      %run_scoped3A = tpu.sem_alloc : memref<!tpu.dma_semaphore, #tpu.memory_space<semaphore_mem>>
      %dma_start3A = arith.constant 0 : i32
      %dma_start3A_12 = tpu.memref_slice %arg5[%mul3A_2, %dma_start3A] : memref<4096x256xf32, #tpu.memory_space<hbm>> -> memref<128x128xf32, #tpu.memory_space<hbm>>
      %dma_start3A_13 = arith.constant 0 : i32
      %dma_start3A_14 = tpu.memref_slice %arg5[%mul3A_2, %dma_start3A_13] : memref<4096x256xf32, #tpu.memory_space<hbm>> -> memref<128x128xf32, #tpu.memory_space<hbm>>
      tpu.enqueue_dma source(%arg9 : memref<128x128xf32, #tpu.memory_space<vmem>>) target(%dma_start3A_14 : memref<128x128xf32, #tpu.memory_space<hbm>>) target_semaphore(%run_scoped3A : memref<!tpu.dma_semaphore, #tpu.memory_space<semaphore_mem>>)
      %dma_wait3A = arith.constant 0 : i32
      %dma_wait3A_15 = tpu.memref_slice %arg5[%mul3A_2, %dma_wait3A] : memref<4096x256xf32, #tpu.memory_space<hbm>> -> memref<128x128xf32, #tpu.memory_space<hbm>>
      %dma_wait3A_16 = arith.constant 0 : i32
      %dma_wait3A_17 = tpu.memref_slice %arg5[%mul3A_2, %dma_wait3A_16] : memref<4096x256xf32, #tpu.memory_space<hbm>> -> memref<128x128xf32, #tpu.memory_space<hbm>>
      tpu.wait_dma2 semaphore(%run_scoped3A : memref<!tpu.dma_semaphore, #tpu.memory_space<semaphore_mem>>) src(%arg9 : memref<128x128xf32, #tpu.memory_space<vmem>>) dst(%dma_wait3A_17 : memref<128x128xf32, #tpu.memory_space<hbm>>)
      tpu.yield
    }) : () -> ()
    "tpu.region"() ({
      %run_scoped3A = tpu.sem_alloc : memref<!tpu.dma_semaphore, #tpu.memory_space<semaphore_mem>>
      %dma_start3A = arith.constant 128 : i32
      %dma_start3A_12 = tpu.memref_slice %arg5[%mul3A_2, %dma_start3A] : memref<4096x256xf32, #tpu.memory_space<hbm>> -> memref<128x128xf32, #tpu.memory_space<hbm>>
      %dma_start3A_13 = arith.constant 128 : i32
      %dma_start3A_14 = tpu.memref_slice %arg5[%mul3A_2, %dma_start3A_13] : memref<4096x256xf32, #tpu.memory_space<hbm>> -> memref<128x128xf32, #tpu.memory_space<hbm>>
      tpu.enqueue_dma source(%arg10 : memref<128x128xf32, #tpu.memory_space<vmem>>) target(%dma_start3A_14 : memref<128x128xf32, #tpu.memory_space<hbm>>) target_semaphore(%run_scoped3A : memref<!tpu.dma_semaphore, #tpu.memory_space<semaphore_mem>>)
      %dma_wait3A = arith.constant 128 : i32
      %dma_wait3A_15 = tpu.memref_slice %arg5[%mul3A_2, %dma_wait3A] : memref<4096x256xf32, #tpu.memory_space<hbm>> -> memref<128x128xf32, #tpu.memory_space<hbm>>
      %dma_wait3A_16 = arith.constant 128 : i32
      %dma_wait3A_17 = tpu.memref_slice %arg5[%mul3A_2, %dma_wait3A_16] : memref<4096x256xf32, #tpu.memory_space<hbm>> -> memref<128x128xf32, #tpu.memory_space<hbm>>
      tpu.wait_dma2 semaphore(%run_scoped3A : memref<!tpu.dma_semaphore, #tpu.memory_space<semaphore_mem>>) src(%arg10 : memref<128x128xf32, #tpu.memory_space<vmem>>) dst(%dma_wait3A_17 : memref<128x128xf32, #tpu.memory_space<hbm>>)
      tpu.yield
    }) : () -> ()
    return
  }
}

module attributes {stable_mosaic.version = 14 : i64} {
  func.func @body(%arg0: memref<4096x256xf32, #tpu.memory_space<vmem>>, %arg1: memref<4096x200xf32, #tpu.memory_space<vmem>>) attributes {dimension_semantics = [], scalar_prefetch = 0 : i64, scratch_operands = 0 : i64, tpu.core_type = #tpu.core_type<tc>} {
    %get3A = arith.constant 0 : index
    %get3A_0 = arith.constant 0 : index
    %get3A_1 = vector.load %arg0[%get3A, %get3A_0] : memref<4096x256xf32, #tpu.memory_space<vmem>>, vector<4096x200xf32>
    %reduce_max3A = arith.constant dense<0xFF800000> : vector<4096xf32>
    %reduce_max3A_2 = vector.multi_reduction <maximumf>, %get3A_1, %reduce_max3A [1] : vector<4096x200xf32> to vector<4096xf32>
    %broadcast_in_dim3A = vector.shape_cast %reduce_max3A_2 : vector<4096xf32> to vector<4096x1xf32>
    %sub3A = vector.broadcast %broadcast_in_dim3A : vector<4096x1xf32> to vector<4096x200xf32>
    %sub3A_3 = arith.subf %get3A_1, %sub3A : vector<4096x200xf32>
    %exp3A = math.exp %sub3A_3 : vector<4096x200xf32>
    %reduce_sum3A = arith.constant dense<0.000000e+00> : vector<4096xf32>
    %reduce_sum3A_4 = vector.multi_reduction <add>, %exp3A, %reduce_sum3A [1] : vector<4096x200xf32> to vector<4096xf32>
    %broadcast_in_dim3A_5 = vector.shape_cast %reduce_sum3A_4 : vector<4096xf32> to vector<4096x1xf32>
    %sub3A_6 = vector.broadcast %broadcast_in_dim3A : vector<4096x1xf32> to vector<4096x200xf32>
    %sub3A_7 = arith.subf %get3A_1, %sub3A_6 : vector<4096x200xf32>
    %log3A = math.log %broadcast_in_dim3A_5 : vector<4096x1xf32>
    %sub3A_8 = vector.broadcast %log3A : vector<4096x1xf32> to vector<4096x200xf32>
    %sub3A_9 = arith.subf %sub3A_7, %sub3A_8 : vector<4096x200xf32>
    %log3A_10 = arith.constant 2.000000e+02 : f32
    %log3A_11 = math.log %log3A_10 : f32
    %add3A = vector.broadcast %log3A_11 : f32 to vector<4096x200xf32>
    %add3A_12 = arith.addf %sub3A_9, %add3A : vector<4096x200xf32>
    %swap3A = arith.constant 0 : index
    %swap3A_13 = arith.constant 0 : index
    %swap3A_14 = vector.load %arg1[%swap3A, %swap3A_13] : memref<4096x200xf32, #tpu.memory_space<vmem>>, vector<4096x200xf32>
    tpu.vector_store %arg1[%swap3A, %swap3A_13], %add3A_12 {strides = array<i32>} : memref<4096x200xf32, #tpu.memory_space<vmem>>, vector<4096x200xf32>,
    return
  }
}

module attributes {stable_mosaic.version = 14 : i64} {
  func.func @body(%arg0: memref<2xi32, #tpu.memory_space<smem>>, %arg1: memref<1000000xi32, #tpu.memory_space<vmem>>, %arg2: memref<1000000xi32, #tpu.memory_space<vmem>>, %arg3: memref<1000448xi32, #tpu.memory_space<vmem>>) attributes {dimension_semantics = [], scalar_prefetch = 0 : i64, scratch_operands = 0 : i64, tpu.core_type = #tpu.core_type<tc>} {
    %get3A = arith.constant 0 : index
    %get3A_0 = memref.load %arg0[%get3A] : memref<2xi32, #tpu.memory_space<smem>>
    %get3A_1 = arith.constant 0 : index
    %get3A_2 = vector.load %arg1[%get3A_1] : memref<1000000xi32, #tpu.memory_space<vmem>>, vector<1000000xi32>
    %sub3A = vector.broadcast %get3A_0 : i32 to vector<1000000xi32>
    %sub3A_3 = arith.subi %get3A_2, %sub3A : vector<1000000xi32>
    %shift_right_arithmetic3A = arith.constant 2 : i32
    %shift_right_arithmetic3A_4 = vector.broadcast %shift_right_arithmetic3A : i32 to vector<1000000xi32>
    %shift_right_arithmetic3A_5 = arith.shrsi %sub3A_3, %shift_right_arithmetic3A_4 : vector<1000000xi32>
    %mul3A = arith.constant 33555 : i32
    %mul3A_6 = vector.broadcast %mul3A : i32 to vector<1000000xi32>
    %mul3A_7 = arith.muli %shift_right_arithmetic3A_5, %mul3A_6 : vector<1000000xi32>
    %shift_right_arithmetic3A_8 = arith.constant 22 : i32
    %shift_right_arithmetic3A_9 = vector.broadcast %shift_right_arithmetic3A_8 : i32 to vector<1000000xi32>
    %shift_right_arithmetic3A_10 = arith.shrsi %mul3A_7, %shift_right_arithmetic3A_9 : vector<1000000xi32>
    %get3A_11 = arith.constant 0 : index
    %get3A_12 = vector.load %arg2[%get3A_11] : memref<1000000xi32, #tpu.memory_space<vmem>>, vector<1000000xi32>
    %mul3A_13 = arith.constant 200 : i32
    %mul3A_14 = vector.broadcast %mul3A_13 : i32 to vector<1000000xi32>
    %mul3A_15 = arith.muli %get3A_12, %mul3A_14 : vector<1000000xi32>
    %add3A = arith.addi %mul3A_15, %shift_right_arithmetic3A_10 : vector<1000000xi32>
    %swap3A = arith.constant 0 : index
    %swap3A_16 = vector.load %arg3[%swap3A] : memref<1000448xi32, #tpu.memory_space<vmem>>, vector<1000000xi32>
    tpu.vector_store %arg3[%swap3A], %add3A {strides = array<i32>} : memref<1000448xi32, #tpu.memory_space<vmem>>, vector<1000000xi32>,
    return
  }
}

</mosaic_0001>

<sc_bundles>
// kernel: gather_offload_async_start
scs
__scs_entry_jumppad:
0x0: {  	(pc) =	sbr.rel $0x88, $3  }
0x1: {  	(tag) =	ssettag $0x0;
	lr =	simm.s32 $0x1  }
0x2: {  	[smem:$0x3F9C] =	sst lr;
	_ =	strace $0xD0000000  }
0x3: {  	_ = 	snop  }
0x4: {  	_ = 	snop  }
0x5: {  	_ = 	snop  }
0x6: {  	_ = 	snop  }
0x7: {  	_ = 	snop  }
__scs_overlays_trampoline_lowered:
0x8: {  	[smem:$0x3FAB] =	sst s0  }
0x9: {  	[smem:$0x3FAC] =	sst s1  }
0xa: {  	[smem:$0x3FAD] =	sst s2  }
0xb: {  	[smem:$0x3FAE] =	sst s3  }
0xc: {  	[smem:$0x3FAF] =	sst s4  }
0xd: {  	[smem:$0x3FB0] =	sst s5  }
0xe: {  	[smem:$0x3FB1] =	sst s6  }
0xf: {  	[smem:$0x3FB2] =	sst s7  }
0x10: {  	[smem:$0x3FB3] =	sst s8  }
0x11: {  	[smem:$0x3FB4] =	sst s9;
	s0 =	simm.s32 @!p0 $0x0  }
0x12: {  	s1 =	sld [smem:$0x3F9A];
	s0 =	simm.s32 @p0 $0x1  }
0x13: {  	[smem:$0x3FB5] =	sst s0;
	s0 =	simm.s32 @!p1 $0x0  }
0x14: {  	s2 =	sld [smem:$0x3F99];
	s0 =	simm.s32 @p1 $0x1  }
0x15: {  	[smem:$0x3FB6] =	sst s0;
	s0 =	simm.s32 @!p2 $0x0  }
0x16: {  	s3 =	sld [smem:$0x3FDB];
	s0 =	simm.s32 @p2 $0x1  }
0x17: {  	s4 =	simm.s32 $0x1BF5;
	[smem:$0x3FB8] =	sst s0  }
0x18: {  	s0 =	sld [smem:$0x3F9B];
	_ =	swait.ge [sflag:s4], $0x0  }
0x19: {  	s7 =	sld [smem:$0x3F9C]  }
0x1a: {  	s8 =	sadd.s32 $0xFFFFE003, lr  }
0x1b: {  	s9 =	sadd.s32 $0xFFFFFEF7, lr;
	s5 =	simm.s32 $0xFFFFFFFF;
	p2 =	slt.u32 s8, $0xFFFFF086  }
0x1c: {  	p1 =	slt.u32 s9, $0xF7A;
	s5 =	simm.s32 @!p2 $0x0  }
0x1d: {  	s5 =	simm.s32 @p1 $0x1;
	p0 =	seq.s32 s7, s2  }
0x1e: {  	s7 =	smul.u32 @!p0 $0xF7A, s2;
	p2 =	seq.s32 @!p0 s5, $0x0  }
0x1f: {  	s9 =	smul.u32 $0xF7A, s1;
	s8 =	simm.s32 @!p0 $0x1BF5;
	p2 =	por !p2, p0  }
0x20: {  	[sflag:s8] =	ssyncset.s32 @!p0 $0xFFFFF086;
	s6 =	sadd.s32 @!p0 s3, s7;
	s7 =	simm.s32 @!p0 $0x108  }
0x21: {  	s3 =	sadd.s32 s3, s9;
	s6 =	sadd.s32 @!p0 $0x88, s6;
	s7 =	simm.s32 @p2 $0x1082  }
0x22: {  	[simem:s7], [sflag:s8] =	dma.local @!p0 [hbm:s6], $0xF7A  }
0x23: {  	s9 =	sor.u32 $0xD0000000, s2;
	s6 =	simm.s32 $0x108;
	_ =	swait.ge @!p0 [sflag:s8], $0x0  }
0x24: {  	s3 =	sadd.s32 $0x88, s3;
	s6 =	simm.s32 @!p1 $0x1082;
	[sflag:s4] =	ssyncset.s32 $0xFFFFF086  }
0x25: {  	[simem:s6], [sflag:s4] =	dma.local [hbm:s3], $0xF7A  }
0x26: {  	[smem:$0x3F9C] =	sst s1;
	(tag) =	ssettag s2;
	_ =	strace s9  }
0x27: {  	s1 =	sld [smem:$0x3FAC]  }
0x28: {  	s2 =	sld [smem:$0x3FAD]  }
0x29: {  	s4 =	sld [smem:$0x3FAF]  }
0x2a: {  	p0 =	seq.s32 s5, $0x0;
	s5 =	sld [smem:$0x3FB0]  }
0x2b: {  	s6 =	sld [smem:$0x3FB1]  }
0x2c: {  	s7 =	sld [smem:$0x3FB2]  }
0x2d: {  	s3 =	simm.s32 $0x108;
	s8 =	sld [smem:$0x3FB3]  }
0x2e: {  	s3 =	simm.s32 @!p0 $0x1082;
	s9 =	sld [smem:$0x3FB4]  }
0x2f: {  	lr =	sadd.s32 s0, s3;
	s0 =	sld [smem:$0x3FAB]  }
0x30: {  	s3 =	sld [smem:$0x3FAE]  }
0x31: {  	[smem:$0x3FB7] =	sst s10  }
0x32: {  	s10 =	sld [smem:$0x3FB5];
	_ =	sdelay $0x3  }
0x33: {  	p0 =	seq.s32 s10, $0x1;
	s10 =	sld [smem:$0x3FB7];
	_ =	sdelay $0x3  }
0x34: {  	[smem:$0x3FB7] =	sst s10  }
0x35: {  	s10 =	sld [smem:$0x3FB6];
	_ =	sdelay $0x3  }
0x36: {  	p1 =	seq.s32 s10, $0x1;
	s10 =	sld [smem:$0x3FB7];
	_ =	sdelay $0x3  }
0x37: {  	[smem:$0x3FB7] =	sst s10  }
0x38: {  	s10 =	sld [smem:$0x3FB8]  }
0x39: {  	_ = 	snop;
	(pc) =	sbr.ind lr, $3  }
0x3a: {  	_ = 	snop  }
0x3b: {  	_ = 	snop  }
0x3c: {  	p2 =	seq.s32 s10, $0x1;
	s10 =	sld [smem:$0x3FB7]  }
0x3d: {  	_ =	shalt  }
0x3e: {  	_ =	shalt  }
0x3f: {  	_ =	shalt  }
0x40: {  	_ =	shalt  }
0x41: {  	_ =	shalt  }
0x42: {  	_ =	shalt  }
0x43: {  	_ =	shalt  }
0x44: {  	_ =	shalt  }
0x45: {  	_ =	shalt  }
0x46: {  	_ =	shalt  }
0x47: {  	_ =	shalt  }
0x48: {  	_ =	shalt  }
0x49: {  	_ =	shalt  }
0x4a: {  	_ =	shalt  }
0x4b: {  	_ =	shalt  }
0x4c: {  	_ =	shalt  }
0x4d: {  	_ =	shalt  }
0x4e: {  	_ =	shalt  }
0x4f: {  	_ =	shalt  }
0x50: {  	_ =	shalt  }
0x51: {  	_ =	shalt  }
0x52: {  	_ =	shalt  }
0x53: {  	_ =	shalt  }
0x54: {  	_ =	shalt  }
0x55: {  	_ =	shalt  }
0x56: {  	_ =	shalt  }
0x57: {  	_ =	shalt  }
0x58: {  	_ =	shalt  }
0x59: {  	_ =	shalt  }
0x5a: {  	_ =	shalt  }
0x5b: {  	_ =	shalt  }
0x5c: {  	_ =	shalt  }
0x5d: {  	_ =	shalt  }
0x5e: {  	_ =	shalt  }
0x5f: {  	_ =	shalt  }
0x60: {  	_ =	shalt  }
0x61: {  	_ =	shalt  }
0x62: {  	_ =	shalt  }
0x63: {  	_ =	shalt  }
0x64: {  	_ =	shalt  }
0x65: {  	_ =	shalt  }
0x66: {  	_ =	shalt  }
0x67: {  	_ =	shalt  }
0x68: {  	_ =	shalt  }
0x69: {  	_ =	shalt  }
0x6a: {  	_ =	shalt  }
0x6b: {  	_ =	shalt  }
0x6c: {  	_ =	shalt  }
0x6d: {  	_ =	shalt  }
0x6e: {  	_ =	shalt  }
0x6f: {  	_ =	shalt  }
0x70: {  	_ =	shalt  }
0x71: {  	_ =	shalt  }
0x72: {  	_ =	shalt  }
0x73: {  	_ =	shalt  }
0x74: {  	_ =	shalt  }
0x75: {  	_ =	shalt  }
0x76: {  	_ =	shalt  }
0x77: {  	_ =	shalt  }
0x78: {  	_ =	shalt  }
0x79: {  	_ =	shalt  }
0x7a: {  	_ =	shalt  }
0x7b: {  	_ =	shalt  }
0x7c: {  	_ =	shalt  }
0x7d: {  	_ =	shalt  }
0x7e: {  	_ =	shalt  }
0x7f: {  	_ =	shalt  }
0x80: {  	_ =	shalt  }
0x81: {  	_ =	shalt  }
0x82: {  	_ =	shalt  }
0x83: {  	_ =	shalt  }
0x84: {  	_ =	shalt  }
0x85: {  	_ =	shalt  }
0x86: {  	_ =	shalt  }
0x87: {  	_ =	shalt  }
.Lfunc_end0:
.L_simem_size_0:
called_computation_lowered:
.L_overlay_start_0:
0x88: {  	s2 =	sld [smem:$0x3FD9]  }
0x89: {  	s3 =	sld [smem:$0x3FFE];
	_ =	sdelay $0x1  }
0x8a: {  	s1 =	srdreg.scid  }
0x8b: {  	s0 =	sand.u32 $0x1, s1  }
0x8c: {  	s17 =	sshll.u32 s0, $0xA;
	s2 =	sadd.s32 s3, s2  }
0x8d: {  	s2 =	sadd.s32 s2, s17  }
0x8e: {  	[smem:$0x3FC3] =	sst s2  }
0x8f: {  	_ = 	snop  }
0x90: {  	s2 =	sld [smem:$0x3FC9];
	(tm) =	ssettm $0x1  }
0x91: {  	s18 =	sld [smem:$0x3FFB];
	_ =	sdelay $0x3  }
0x92: {  	_ =	strace s18  }
0x93: {  	s3 =	sld [smem:$0x3FFC];
	_ =	sdelay $0x3  }
0x94: {  	_ =	strace s3  }
0x95: {  	s3 =	sld [smem:$0x3FFD];
	_ =	sdelay $0x3  }
0x96: {  	_ =	strace s3  }
0x97: {  	_ =	strace $0x8FFFFFFF  }
0x98: {  	s19 =	sld [smem:$0x3FDB];
	_ =	sdelay $0x1  }
0x99: {  	s4 =	simm.s32 $_scs_section_size  }
0x9a: {  	s5 =	simm.s32 $_size__tile_overlayer_lowered;
	s6 =	simm.s32 $_tile_overlayer_lowered  }
0x9b: {  	s22 =	simm.s32 $0x1BFF;
	s21 =	sshll.u32 s6, $0x1;
	s3 =	sadd.s32 s4, s19  }
0x9c: {  	s7 =	simm.s32 $0x0;
	s20 =	sshll.u32 s5, $0x1;
	s5 =	sadd.s32 s21, s3  }
0x9d: {  	[timem:s7], [sflag:s22] =	dma.local [hbm:s5], s20  }
0x9e: {  	_ =	swait.ge [sflag:s22], s20  }
0x9f: {  	s4 =	ssub.s32 $0x0, s20;
	[sflag:s22] =	ssyncset.done $0x0  }
0xa0: {  	[sflag:s22] =	ssyncadd.s32 s4;
	_ =	sdelay $0x1  }
0xa1: {  	s23 =	simm.s32 $0x1B8B  }
0xa2: {  	_ =	swait.ge [sflag:s23], $0x1  }
0xa3: {  	[sflag:s23] =	ssyncset.done $0x0  }
0xa4: {  	s25 =	simm.s32 $0x1B8E;
	s24 =	sld [smem:$0x3FFE];
	[sflag:s23] =	ssyncadd.s32 $0xFFFFFFFF  }
0xa5: {  	s26 =	simm.s32 $execute0_lowered;
	[smem:$0x3FD2] =	sst s25  }
0xa6: {  	s5 =	sshll.u32 s26, $0x1;
	_ =	strace $0x80000046;
	[dreg:$0x1] =	wrdreg $0xFFFFFFFF  }
0xa7: {  	s28 =	simm.s32 $_size_execute0_lowered;
	s3 =	sadd.s32 s3, s5;
	[dreg:$0x0] =	wrdreg $0x0  }
0xa8: {  	s5 =	sshll.u32 s28, $0x1;
	[dreg:$0x2] =	wrdreg s3  }
0xa9: {  	[dreg:$0x3] =	wrdreg s5  }
0xaa: {  	[dreg:$0x4] =	wrdreg $0xC0  }
0xab: {  	_ =	task [dreg:s7], $0x5FFFF  }
0xac: {  	[dreg:$0x1] =	wrdreg $0xFFFFFFFF  }
0xad: {  	[dreg:$0x0] =	wrdreg $0x60  }
0xae: {  	[dreg:$0x2] =	wrdreg s2  }
0xaf: {  	[dreg:$0x3] =	wrdreg s24  }
0xb0: {  	[dreg:$0x4] =	wrdreg $0x9  }
0xb1: {  	_ =	task.clear_ibuf [dreg:s7], $0x5FFFF;
	_ =	strace $0x90000046  }
0xb2: {  	s29 =	simm.s32 $0x9;
	_ =	strace $0x80000048  }
0xb3: {  	_ =	swait.ge [sflag:s29], $0x1  }
0xb4: {  	[sflag:s29] =	ssyncadd.s32 $0xFFFFFFFF  }
0xb5: {  	_ =	strace $0x90000048  }
0xb6: {  	_ =	sfence  }
0xb7: {  	s30 =	sld [smem:$0x0];
	_ =	sdelay $0x2  }
0xb8: {  	s31 =	sshll.u32 s1, $0xD;
	s1 =	sshrl.u32 s1, $0x2  }
0xb9: {  	s3 =	sand.u32 $0x4000, s31;
	s1 =	sadd.s32 s1, s30  }
0xba: {  	s0 =	sor.u32 s3, s0;
	s1 =	sshll.u32 s1, $0x11  }
0xbb: {  	s0 =	sor.u32 s1, s0  }
0xbc: {  	s0 =	sadd.s32 $0x8F2B, s0  }
0xbd: {  	[sflag:s0] =	ssyncadd.remote.s32 $0x1  }
0xbe: {  	_ =	sfence.sel $0xFFFF  }
0xbf: {  	[dreg:$0x0] =	wrdreg $0xFFFFFFFF;
	(pc) =	sbr.abs _section_cstart, $3  }
0xc0: {  	[dreg:$0x1] =	wrdreg $0xFFFFFFFF  }
0xc1: {  	_ =	task.clear_ibuf [dreg:s7], $0x2FFFF;
	_ =	strace $0x9FFFFFFF  }
0xc2: {  	(tm) =	ssettm $0x7FFFFFFF  }
0xc3: {  	_ =	shalt  }
tec
execute0_lowered:
.L_overlay_start_1:
0x0: {  	(tag) =	ssettag $0x1  }
0x1: {  	s1 =	srdreg.scid;
	s2 =	rddreg [dreg:$0x0]  }
0x2: {  	s0 =	stileid.u32;
	s5 =	rddreg [dreg:$0x1];
	s6 =	simm.s32 $0x1  }
0x3: {  	s9 =	simm.s32 $0x1;
	s10 =	simm.s32 $0x3;
	s1 =	sshll.u32 s1, $0x6  }
0x4: {  	s13 =	simm.s32 $0x0;
	s3 =	sshll.u32 s0, $0x7;
	s4 =	sand.u32 $0x40, s1  }
0x5: {  	s12 =	simm.s32 $0x0;
	s1 =	rddreg [dreg:$0x2];
	s3 =	sor.u32 s3, s4  }
0x6: {  	_ =	strace $0x80000047;
	s4 =	sadd.s32 $0xE00, s5;
	s8 =	ssub.s32 $0x1000, s3  }
.Ltmp0:
0x7: {  	s5 =	sadd.s32 $0x1000, s5;
	s7 =	sand.u32 $0x7C0, s8;
	(pc) =	sbr.rel .LBB2_1-.Ltmp0, $4  }
0x8: {  	[sflag:s6] =	ssyncpa.u1 $0x0;
	s11 =	smov.u32 s3;
	p0 =	sne.s32 s7, $0x0  }
0x9: {  	s8 =	sshrl.u32 s8, $0xB;
	s7 =	simm.s32 $0x2;
	s9 =	simm.s32 @!p0 $0x0  }
0xa: {  	[sflag:s7] =	ssyncpa.u1 $0x0;
	p0 =	por $0x0, $0x0;
	s8 =	sadd.s32 s9, s8  }
0xb: {  	vm0 =	vmmov $0xffff;
	[sflag:s10] =	ssyncpa.u1 $0x0;
	s10 =	simm.s32 $0x0;
	s9 =	sadd.s32 $0x1, s8  }
.LBB2_4:
0xc: {  	v2 =	vnsel vm1, $0x0, v2  }
0xd: {  	vm1 =	vgt.s32 v0, $0x0;
	v2 =	vmin.u32 v2, $0xFFF  }
0xe: {  	v0 =	vnsel vm1, $0x0, v0  }
0xf: {  	v0 =	vmin.u32 v0, $0xFFF  }
0x10: {  	[tilespmem:s15], [sflag:$0x1] =	stream.indirect_vreg.gather [hbm4b:s2+s10], $0x1, v1, vm0, $0x4038;
	[tilespmem:$0x100] =	vst v63  }
0x11: {  	(ifvalue) =	ssetifvalue $0x7FFFFFFF  }
0x12: {  	[tilespmem:s16], [sflag:$0x1] =	stream.indirect_vreg.gather [hbm4b:s2+s10], $0x1, v2, vm0, $0x4038;
	[tilespmem:$0x100] =	vst v63  }
0x13: {  	s29 =	sadd.s32 $0x10, s16;
	(ifvalue) =	ssetifvalue $0x7FFFFFFF  }
0x14: {  	[tilespmem:s29], [sflag:$0x1] =	stream.indirect_vreg.gather [hbm4b:s2+s10], $0x1, v0, vm0, $0x4038;
	[tilespmem:$0x100] =	vst v63  }
0x15: {  	_ =	swait.ge [sflag:s6], $0x40  }
0x16: {  	s30 =	sshrl.u32 s13, $0x3;
	[sflag:s6] =	ssyncset.done $0x0  }
0x17: {  	s31 =	sand.u32 $0x7, s13;
	s15 =	sadd.s32 s5, s30;
	[sflag:s6] =	ssyncadd.s32 $0xFFFFFFC0  }
0x18: {  	[hbm4b:s15+s31] =	stream.linear.scatter [tilespmem:s14], [sflag:$0x3], $0x40, $0x38;
	[tilespmem:$0x100] =	vst v63  }
.LBB2_5:
0x19: {  	s15 =	sadd.s32 $0x800, s11  }
0x1a: {  	p2 =	sgt.s32 s15, $0xFFF  }
0x1b: {  	s15 =	smov.u32 @p2 s3;
	p2 =	sne.s32 s12, s9  }
.Ltmp1:
0x1c: {  	p1 =	slt.u32 s12, $0x2;
	(pc) =	sbr.rel @!p2 .LBB2_6-.Ltmp1, $4  }
0x1d: {  	s14 =	simm.s32 @!p1 $0x3  }
0x1e: {  	s16 =	sadd.s32 $0x1, s12;
	_ =	swait.ge @!p1 [sflag:s14], $0x40  }
0x1f: {  	s13 =	smov.u32 s11;
	p0 =	por !p0, !p0;
	[sflag:s14] =	ssyncset.done @!p1 $0x0  }
0x20: {  	s12 =	smov.u32 s16;
	s11 =	smov.u32 s15;
	[sflag:s14] =	ssyncadd.s32 @!p1 $0xFFFFFFC0  }
.LBB2_1:
0x21: {  	p1 =	sge.u32 s12, s8  }
0x22: {  	s14 =	sxor.u32 @!p1 $0xFFFFFFFF, s12  }
0x23: {  	s31 =	sadd.s32 $0xFFFFFFFF, s12;
	s15 =	sshrl.u32 @!p1 s11, $0x3;
	s14 =	sshll.u32 @!p1 s14, $0x6  }
0x24: {  	s16 =	sand.u32 @!p1 $0x7, s11;
	s15 =	sadd.s32 @!p1 s4, s15;
	s14 =	sand.u32 @!p1 $0x40, s14  }
0x25: {  	[tilespmem:s14], [sflag:$0x2] =	stream.linear.gather @!p1 [hbm4b:s15+s16], $0x40, $0x38;
	[tilespmem:$0x100] =	vst v63  }
0x26: {  	p1 =	sge.u32 s31, s8  }
.Ltmp2:
0x27: {  	_ = 	snop;
	(pc) =	sbr.rel @p1 .LBB2_5-.Ltmp2, $1  }
0x28: {  	_ =	sdelay $0x3  }
0x29: {  	s14 =	simm.s32 $0x1  }
0x2a: {  	_ =	swait.ge [sflag:s7], $0x40;
	s14 =	simm.s32 @!p0 $0x0  }
0x2b: {  	[sflag:s7] =	ssyncset.done $0x0;
	s14 =	sshll.u32 s14, $0x6  }
0x2c: {  	[sflag:s7] =	ssyncadd.s32 $0xFFFFFFC0;
	(ifvalue) =	ssetifvalue $0x7FFFFFFF;
	v0 =	vld.msk [tilespmem:s14+$0x0 ss:$0x1], $0xffff;
	_ =	sdelay $0x4  }
0x2d: {  	s15 =	sadd.s32 $0x10, s14;
	vm1 =	vgt.s32 v0, $0x0  }
0x2e: {  	v2 =	vld.msk [tilespmem:s15+$0x0 ss:$0x1], $0xffff;
	v1 =	vnsel vm1, $0x0, v0  }
0x2f: {  	v1 =	vmin.u32 v1, $0xFFF;
	_ =	sdelay $0x1  }
0x30: {  	s16 =	sshll.u32 s12, $0x6;
	s18 =	simm.s32 $0x20  }
0x31: {  	s16 =	sand.u32 $0x40, s16;
	s17 =	sadd.s32 $0x10, s15;
	s15 =	sor.u32 $0x80, s14  }
0x32: {  	s14 =	sor.u32 $0x80, s16;
	s16 =	sadd.s32 $0x10, s15;
	v0 =	vld.msk [tilespmem:s17+$0x0 ss:$0x1], $0xffff;
	vm1 =	vgt.s32 v2, $0x0;
	(ifvalue) =	ssetifvalue $0x7FFFFFFF  }
.LBB2_3:
0x33: {  	[tilespmem:s15], [sflag:$0x1] =	stream.indirect_vreg.gather [hbm4b:s2+s10], $0x1, v1, vm0, $0x4038;
	[tilespmem:$0x100] =	vst v63  }
0x34: {  	s18 =	sadd.s32 $0x10, s18  }
0x35: {  	v2 =	vnsel vm1, $0x0, v2;
	p1 =	slt.u32 s18, $0x30  }
.Ltmp3:
0x36: {  	s15 =	smov.u32 s16;
	v1 =	vmin.u32 v2, $0xFFF;
	(pc) =	sbr.rel @p1 .LBB2_3-.Ltmp3, $3  }
0x37: {  	_ =	sdelay $0x1  }
0x38: {  	s17 =	sadd.s32 $0x10, s17  }
0x39: {  	vm1 =	vgt.s32 v0, $0x0;
	s16 =	sadd.s32 $0x10, s16;
	v2 =	vmov v0;
	(ifvalue) =	ssetifvalue $0x7FFFFFFF;
	v0 =	vld.msk [tilespmem:s17+$0x0 ss:$0x1], $0xffff  }
.Ltmp4:
0x3a: {  	_ = 	snop;
	(pc) =	sbr.rel .LBB2_4-.Ltmp4, $1  }
0x3b: {  	_ =	sdelay $0x3  }
.LBB2_6:
0x3c: {  	_ =	sfence.sel $0x180000  }
0x3d: {  	s2 =	simm.s32 $0x2;
	[bflag:$0x0] =	sbarrier.arrive $0xFFFF  }
0x3e: {  	s30 =	simm.s32 $0x3;
	[sflag:s2] =	ssyncpa.u1 $0x1  }
0x3f: {  	s31 =	simm.s32 $0x1;
	[sflag:s30] =	ssyncpa.u1 $0x1  }
0x40: {  	[sflag:s31] =	ssyncpa.u1 $0x1  }
0x41: {  	p0 =	sne.s32 s0, $0x0;
	_ =	strace $0x90000047  }
0x42: {  	s0 =	sadd.s32 @!p0 $0x100000, s1;
	[bflag:$0x2] =	sbarrier.arrive $0xFFFF  }
0x43: {  	[sflag:s0] =	ssyncadd.tile.s32 @!p0 $0x1;
	_ =	shalt  }
.Lfunc_end2:
_tile_overlayer_lowered:
.L_overlay_start_2:
0x44: {  	(tag) =	ssettag $0x2  }
0x45: {  	s0 =	rddreg [dreg:$0x0];
	s2 =	stileid.u32  }
0x46: {  	s1 =	rddreg [dreg:$0x1];
	p0 =	sne.s32 s2, $0x0  }
0x47: {  	s3 =	rddreg [dreg:$0x2];
	[bflag:$0x3] =	sbarrier.arrive $0xFFFF;
	s2 =	simm.s32 @!p0 $0x1C01  }
0x48: {  	[timem:s3], [sflag:s2] =	dma.local @!p0 [hbm:s0], s1  }
0x49: {  	s0 =	simm.s32 @!p0 $0x1  }
0x4a: {  	_ =	swait.ge @!p0 [sflag:s0], s1  }
0x4b: {  	s1 =	ssub.s32 @!p0 $0x0, s1;
	[sflag:s0] =	ssyncset.done @!p0 $0x0  }
0x4c: {  	[sflag:s0] =	ssyncadd.s32 @!p0 s1  }
0x4d: {  	[bflag:$0x3] =	sbarrier.arrive $0xFFFF  }
0x4e: {  	_ =	shalt  }

// kernel: kernel.10.cloned.1.call-start
scs
__scs_entry_jumppad:
0x0: {  	(pc) =	sbr.rel $0x88, $3  }
0x1: {  	(tag) =	ssettag $0x0;
	lr =	simm.s32 $0x1  }
0x2: {  	[smem:$0x3F9C] =	sst lr;
	_ =	strace $0xD0000000  }
0x3: {  	_ = 	snop  }
0x4: {  	_ = 	snop  }
0x5: {  	_ = 	snop  }
0x6: {  	_ = 	snop  }
0x7: {  	_ = 	snop  }
__scs_overlays_trampoline_lowered:
0x8: {  	[smem:$0x3FAB] =	sst s0  }
0x9: {  	[smem:$0x3FAC] =	sst s1  }
0xa: {  	[smem:$0x3FAD] =	sst s2  }
0xb: {  	[smem:$0x3FAE] =	sst s3  }
0xc: {  	[smem:$0x3FAF] =	sst s4  }
0xd: {  	[smem:$0x3FB0] =	sst s5  }
0xe: {  	[smem:$0x3FB1] =	sst s6  }
0xf: {  	[smem:$0x3FB2] =	sst s7  }
0x10: {  	[smem:$0x3FB3] =	sst s8  }
0x11: {  	[smem:$0x3FB4] =	sst s9;
	s0 =	simm.s32 @!p0 $0x0  }
0x12: {  	s1 =	sld [smem:$0x3F9A];
	s0 =	simm.s32 @p0 $0x1  }
0x13: {  	[smem:$0x3FB5] =	sst s0;
	s0 =	simm.s32 @!p1 $0x0  }
0x14: {  	s2 =	sld [smem:$0x3F99];
	s0 =	simm.s32 @p1 $0x1  }
0x15: {  	[smem:$0x3FB6] =	sst s0;
	s0 =	simm.s32 @!p2 $0x0  }
0x16: {  	s3 =	sld [smem:$0x3FDB];
	s0 =	simm.s32 @p2 $0x1  }
0x17: {  	s4 =	simm.s32 $0x1BF5;
	[smem:$0x3FB8] =	sst s0  }
0x18: {  	s0 =	sld [smem:$0x3F9B];
	_ =	swait.ge [sflag:s4], $0x0  }
0x19: {  	s7 =	sld [smem:$0x3F9C]  }
0x1a: {  	s8 =	sadd.s32 $0xFFFFE003, lr  }
0x1b: {  	s9 =	sadd.s32 $0xFFFFFEF7, lr;
	s5 =	simm.s32 $0xFFFFFFFF;
	p2 =	slt.u32 s8, $0xFFFFF086  }
0x1c: {  	p1 =	slt.u32 s9, $0xF7A;
	s5 =	simm.s32 @!p2 $0x0  }
0x1d: {  	s5 =	simm.s32 @p1 $0x1;
	p0 =	seq.s32 s7, s2  }
0x1e: {  	s7 =	smul.u32 @!p0 $0xF7A, s2;
	p2 =	seq.s32 @!p0 s5, $0x0  }
0x1f: {  	s9 =	smul.u32 $0xF7A, s1;
	s8 =	simm.s32 @!p0 $0x1BF5;
	p2 =	por !p2, p0  }
0x20: {  	[sflag:s8] =	ssyncset.s32 @!p0 $0xFFFFF086;
	s6 =	sadd.s32 @!p0 s3, s7;
	s7 =	simm.s32 @!p0 $0x108  }
0x21: {  	s3 =	sadd.s32 s3, s9;
	s6 =	sadd.s32 @!p0 $0x88, s6;
	s7 =	simm.s32 @p2 $0x1082  }
0x22: {  	[simem:s7], [sflag:s8] =	dma.local @!p0 [hbm:s6], $0xF7A  }
0x23: {  	s9 =	sor.u32 $0xD0000000, s2;
	s6 =	simm.s32 $0x108;
	_ =	swait.ge @!p0 [sflag:s8], $0x0  }
0x24: {  	s3 =	sadd.s32 $0x88, s3;
	s6 =	simm.s32 @!p1 $0x1082;
	[sflag:s4] =	ssyncset.s32 $0xFFFFF086  }
0x25: {  	[simem:s6], [sflag:s4] =	dma.local [hbm:s3], $0xF7A  }
0x26: {  	[smem:$0x3F9C] =	sst s1;
	(tag) =	ssettag s2;
	_ =	strace s9  }
0x27: {  	s1 =	sld [smem:$0x3FAC]  }
0x28: {  	s2 =	sld [smem:$0x3FAD]  }
0x29: {  	s4 =	sld [smem:$0x3FAF]  }
0x2a: {  	p0 =	seq.s32 s5, $0x0;
	s5 =	sld [smem:$0x3FB0]  }
0x2b: {  	s6 =	sld [smem:$0x3FB1]  }
0x2c: {  	s7 =	sld [smem:$0x3FB2]  }
0x2d: {  	s3 =	simm.s32 $0x108;
	s8 =	sld [smem:$0x3FB3]  }
0x2e: {  	s3 =	simm.s32 @!p0 $0x1082;
	s9 =	sld [smem:$0x3FB4]  }
0x2f: {  	lr =	sadd.s32 s0, s3;
	s0 =	sld [smem:$0x3FAB]  }
0x30: {  	s3 =	sld [smem:$0x3FAE]  }
0x31: {  	[smem:$0x3FB7] =	sst s10  }
0x32: {  	s10 =	sld [smem:$0x3FB5];
	_ =	sdelay $0x3  }
0x33: {  	p0 =	seq.s32 s10, $0x1;
	s10 =	sld [smem:$0x3FB7];
	_ =	sdelay $0x3  }
0x34: {  	[smem:$0x3FB7] =	sst s10  }
0x35: {  	s10 =	sld [smem:$0x3FB6];
	_ =	sdelay $0x3  }
0x36: {  	p1 =	seq.s32 s10, $0x1;
	s10 =	sld [smem:$0x3FB7];
	_ =	sdelay $0x3  }
0x37: {  	[smem:$0x3FB7] =	sst s10  }
0x38: {  	s10 =	sld [smem:$0x3FB8]  }
0x39: {  	_ = 	snop;
	(pc) =	sbr.ind lr, $3  }
0x3a: {  	_ = 	snop  }
0x3b: {  	_ = 	snop  }
0x3c: {  	p2 =	seq.s32 s10, $0x1;
	s10 =	sld [smem:$0x3FB7]  }
0x3d: {  	_ =	shalt  }
0x3e: {  	_ =	shalt  }
0x3f: {  	_ =	shalt  }
0x40: {  	_ =	shalt  }
0x41: {  	_ =	shalt  }
0x42: {  	_ =	shalt  }
0x43: {  	_ =	shalt  }
0x44: {  	_ =	shalt  }
0x45: {  	_ =	shalt  }
0x46: {  	_ =	shalt  }
0x47: {  	_ =	shalt  }
0x48: {  	_ =	shalt  }
0x49: {  	_ =	shalt  }
0x4a: {  	_ =	shalt  }
0x4b: {  	_ =	shalt  }
0x4c: {  	_ =	shalt  }
0x4d: {  	_ =	shalt  }
0x4e: {  	_ =	shalt  }
0x4f: {  	_ =	shalt  }
0x50: {  	_ =	shalt  }
0x51: {  	_ =	shalt  }
0x52: {  	_ =	shalt  }
0x53: {  	_ =	shalt  }
0x54: {  	_ =	shalt  }
0x55: {  	_ =	shalt  }
0x56: {  	_ =	shalt  }
0x57: {  	_ =	shalt  }
0x58: {  	_ =	shalt  }
0x59: {  	_ =	shalt  }
0x5a: {  	_ =	shalt  }
0x5b: {  	_ =	shalt  }
0x5c: {  	_ =	shalt  }
0x5d: {  	_ =	shalt  }
0x5e: {  	_ =	shalt  }
0x5f: {  	_ =	shalt  }
0x60: {  	_ =	shalt  }
0x61: {  	_ =	shalt  }
0x62: {  	_ =	shalt  }
0x63: {  	_ =	shalt  }
0x64: {  	_ =	shalt  }
0x65: {  	_ =	shalt  }
0x66: {  	_ =	shalt  }
0x67: {  	_ =	shalt  }
0x68: {  	_ =	shalt  }
0x69: {  	_ =	shalt  }
0x6a: {  	_ =	shalt  }
0x6b: {  	_ =	shalt  }
0x6c: {  	_ =	shalt  }
0x6d: {  	_ =	shalt  }
0x6e: {  	_ =	shalt  }
0x6f: {  	_ =	shalt  }
0x70: {  	_ =	shalt  }
0x71: {  	_ =	shalt  }
0x72: {  	_ =	shalt  }
0x73: {  	_ =	shalt  }
0x74: {  	_ =	shalt  }
0x75: {  	_ =	shalt  }
0x76: {  	_ =	shalt  }
0x77: {  	_ =	shalt  }
0x78: {  	_ =	shalt  }
0x79: {  	_ =	shalt  }
0x7a: {  	_ =	shalt  }
0x7b: {  	_ =	shalt  }
0x7c: {  	_ =	shalt  }
0x7d: {  	_ =	shalt  }
0x7e: {  	_ =	shalt  }
0x7f: {  	_ =	shalt  }
0x80: {  	_ =	shalt  }
0x81: {  	_ =	shalt  }
0x82: {  	_ =	shalt  }
0x83: {  	_ =	shalt  }
0x84: {  	_ =	shalt  }
0x85: {  	_ =	shalt  }
0x86: {  	_ =	shalt  }
0x87: {  	_ =	shalt  }
.Lfunc_end0:
.L_simem_size_0:
called_computation.2_lowered:
.L_overlay_start_0:
0x88: {  	s2 =	sld [smem:$0x3FD9]  }
0x89: {  	s3 =	sld [smem:$0x3FFE];
	_ =	sdelay $0x1  }
0x8a: {  	s1 =	srdreg.scid  }
0x8b: {  	s0 =	sand.u32 $0x1, s1  }
0x8c: {  	s17 =	sshll.u32 s0, $0xA;
	s2 =	sadd.s32 s3, s2  }
0x8d: {  	s2 =	sadd.s32 s2, s17  }
0x8e: {  	[smem:$0x3FC3] =	sst s2  }
0x8f: {  	_ = 	snop  }
0x90: {  	s2 =	sld [smem:$0x3FD0];
	(tm) =	ssettm $0x1  }
0x91: {  	s18 =	sld [smem:$0x3FFB];
	_ =	sdelay $0x3  }
0x92: {  	_ =	strace s18  }
0x93: {  	s3 =	sld [smem:$0x3FFC];
	_ =	sdelay $0x3  }
0x94: {  	_ =	strace s3  }
0x95: {  	s3 =	sld [smem:$0x3FFD];
	_ =	sdelay $0x3  }
0x96: {  	_ =	strace s3  }
0x97: {  	_ =	strace $0x8FFFFFFF  }
0x98: {  	s19 =	sld [smem:$0x3FDB];
	_ =	sdelay $0x1  }
0x99: {  	s4 =	simm.s32 $_scs_section_size  }
0x9a: {  	s5 =	simm.s32 $_size__tile_overlayer_lowered;
	s6 =	simm.s32 $_tile_overlayer_lowered  }
0x9b: {  	s22 =	simm.s32 $0x1BFF;
	s21 =	sshll.u32 s6, $0x1;
	s3 =	sadd.s32 s4, s19  }
0x9c: {  	s7 =	simm.s32 $0x0;
	s20 =	sshll.u32 s5, $0x1;
	s5 =	sadd.s32 s21, s3  }
0x9d: {  	[timem:s7], [sflag:s22] =	dma.local [hbm:s5], s20  }
0x9e: {  	_ =	swait.ge [sflag:s22], s20  }
0x9f: {  	s4 =	ssub.s32 $0x0, s20;
	[sflag:s22] =	ssyncset.done $0x0  }
0xa0: {  	[sflag:s22] =	ssyncadd.s32 s4;
	_ =	sdelay $0x1  }
0xa1: {  	s23 =	simm.s32 $0x1B8B  }
0xa2: {  	_ =	swait.ge [sflag:s23], $0x1  }
0xa3: {  	[sflag:s23] =	ssyncset.done $0x0  }
0xa4: {  	s25 =	simm.s32 $0x1B8E;
	s24 =	sld [smem:$0x3FFE];
	[sflag:s23] =	ssyncadd.s32 $0xFFFFFFFF  }
0xa5: {  	s26 =	simm.s32 $execute0_lowered;
	[smem:$0x3FD2] =	sst s25  }
0xa6: {  	s5 =	sshll.u32 s26, $0x1;
	_ =	strace $0x8000004C;
	[dreg:$0x1] =	wrdreg $0xFFFFFFFF  }
0xa7: {  	s28 =	simm.s32 $_size_execute0_lowered;
	s3 =	sadd.s32 s3, s5;
	[dreg:$0x0] =	wrdreg $0x0  }
0xa8: {  	s5 =	sshll.u32 s28, $0x1;
	[dreg:$0x2] =	wrdreg s3  }
0xa9: {  	[dreg:$0x3] =	wrdreg s5  }
0xaa: {  	[dreg:$0x4] =	wrdreg $0xC0  }
0xab: {  	_ =	task [dreg:s7], $0x5FFFF  }
0xac: {  	[dreg:$0x1] =	wrdreg $0xFFFFFFFF  }
0xad: {  	[dreg:$0x0] =	wrdreg $0x60  }
0xae: {  	[dreg:$0x2] =	wrdreg s2  }
0xaf: {  	[dreg:$0x3] =	wrdreg s24  }
0xb0: {  	[dreg:$0x4] =	wrdreg $0x9  }
0xb1: {  	_ =	task.clear_ibuf [dreg:s7], $0x5FFFF;
	_ =	strace $0x9000004C  }
0xb2: {  	s29 =	simm.s32 $0x9;
	_ =	strace $0x8000004E  }
0xb3: {  	_ =	swait.ge [sflag:s29], $0x1  }
0xb4: {  	[sflag:s29] =	ssyncadd.s32 $0xFFFFFFFF  }
0xb5: {  	_ =	strace $0x9000004E  }
0xb6: {  	_ =	sfence  }
0xb7: {  	s30 =	sld [smem:$0x0];
	_ =	sdelay $0x2  }
0xb8: {  	s31 =	sshll.u32 s1, $0xD;
	s1 =	sshrl.u32 s1, $0x2  }
0xb9: {  	s3 =	sand.u32 $0x4000, s31;
	s1 =	sadd.s32 s1, s30  }
0xba: {  	s0 =	sor.u32 s3, s0;
	s1 =	sshll.u32 s1, $0x11  }
0xbb: {  	s0 =	sor.u32 s1, s0  }
0xbc: {  	s0 =	sadd.s32 $0x8F2B, s0  }
0xbd: {  	[sflag:s0] =	ssyncadd.remote.s32 $0x1  }
0xbe: {  	_ =	sfence.sel $0xFFFF  }
0xbf: {  	[dreg:$0x0] =	wrdreg $0xFFFFFFFF;
	(pc) =	sbr.abs _section_cstart, $3  }
0xc0: {  	[dreg:$0x1] =	wrdreg $0xFFFFFFFF  }
0xc1: {  	_ =	task.clear_ibuf [dreg:s7], $0x2FFFF;
	_ =	strace $0x9FFFFFFF  }
0xc2: {  	(tm) =	ssettm $0x7FFFFFFF  }
0xc3: {  	_ =	shalt  }
tec
execute0_lowered:
.L_overlay_start_1:
0x0: {  	(tag) =	ssettag $0x1  }
0x1: {  	s1 =	srdreg.scid  }
0x2: {  	s0 =	stileid.u32;
	s2 =	rddreg [dreg:$0x0];
	s6 =	sand.u32 $0x1, s1  }
0x3: {  	s8 =	rddreg [dreg:$0x1];
	s30 =	sshll.u32 s0, $0x8;
	s3 =	sshll.u32 s6, $0x7  }
0x4: {  	s1 =	rddreg [dreg:$0x2];
	s7 =	sor.u32 s3, s30  }
0x5: {  	s10 =	ssub.s32 $0x2, s6;
	s3 =	simm.s32 $0x0;
	s4 =	sshrl.u32 s7, $0x3  }
0x6: {  	s6 =	simm.s32 $0x80;
	[smem:$0x7FF] =	sst s3;
	s4 =	sadd.s32 s4, s8  }
0x7: {  	_ =	strace $0x8000004D;
	s5 =	sadd.s32 $0x21000, s4;
	s4 =	simm.s32 $0x2  }
0x8: {  	[tilespmem:s3], [sflag:$0x2] =	stream.linear.gather [hbm4b:s5+s3], $0x80, $0x38;
	[tilespmem:$0x6480] =	vst v63  }
0x9: {  	s11 =	sshrl.u32 s10, $0x1;
	s9 =	smul.u32 $0x19, s7;
	_ =	swait.ge [sflag:s4], $0x80  }
0xa: {  	s7 =	simm.s32 $0x1;
	s31 =	ssub.s32 s10, s11;
	[sflag:s4] =	ssyncset.done $0x0  }
0xb: {  	s8 =	sadd.s32 s9, s8;
	s9 =	smax.u32 s31, $0x1;
	[sflag:s4] =	ssyncadd.s32 $0xFFFFFF80  }
0xc: {  	[tilespmem:s6], [sflag:$0x1] =	stream.indirect.gather [hbm4b:s2+s6], $0xC8, s3, s6, $0xb8;
	[tilespmem:$0x6480] =	vst v63  }
0xd: {  	p0 =	sne.s32 s9, $0x1;
	_ =	swait.ge [sflag:s7], $0x6400  }
.Ltmp0:
0xe: {  	[sflag:s7] =	ssyncset.done $0x0;
	(pc) =	sbr.rel @!p0 .LBB2_2-.Ltmp0, $4  }
0xf: {  	s8 =	sadd.s32 $0xE00, s8;
	[sflag:s7] =	ssyncadd.s32 $0xFFFF9C00  }
0x10: {  	[hbm4b:s8+s3] =	stream.linear.scatter [tilespmem:s6], [sflag:$0x2], $0x6400, $0x38;
	[tilespmem:$0x6480] =	vst v63  }
0x11: {  	_ =	swait.ge [sflag:s4], $0x6400  }
0x12: {  	s9 =	sadd.s32 $0xFFFFFFFF, s9;
	[sflag:s4] =	ssyncset.done $0x0  }
.LBB2_1:
0x13: {  	p0 =	sne.s32 s9, $0x1;
	s9 =	sadd.s32 $0xFFFFFFFF, s9;
	[sflag:s4] =	ssyncadd.s32 $0xFFFF9C00  }
0x14: {  	[tilespmem:s3], [sflag:$0x2] =	stream.linear.gather [hbm4b:s5+s3], $0x80, $0x38;
	[tilespmem:$0x6480] =	vst v63  }
0x15: {  	_ =	swait.ge [sflag:s4], $0x80  }
0x16: {  	[sflag:s4] =	ssyncset.done $0x0  }
0x17: {  	[sflag:s4] =	ssyncadd.s32 $0xFFFFFF80  }
0x18: {  	[tilespmem:s6], [sflag:$0x1] =	stream.indirect.gather [hbm4b:s2+s6], $0xC8, s3, s6, $0xb8;
	[tilespmem:$0x6480] =	vst v63  }
0x19: {  	_ =	swait.ge [sflag:s7], $0x6400  }
.Ltmp1:
0x1a: {  	[sflag:s7] =	ssyncset.done $0x0;
	(pc) =	sbr.rel @p0 .LBB2_1-.Ltmp1, $4  }
0x1b: {  	[sflag:s7] =	ssyncadd.s32 $0xFFFF9C00  }
0x1c: {  	[hbm4b:s8+s3] =	stream.linear.scatter [tilespmem:s6], [sflag:$0x2], $0x6400, $0x38;
	[tilespmem:$0x6480] =	vst v63  }
0x1d: {  	_ =	swait.ge [sflag:s4], $0x6400  }
0x1e: {  	[sflag:s4] =	ssyncset.done $0x0  }
.LBB2_2:
0x1f: {  	[sflag:s4] =	ssyncadd.s32 $0xFFFF9C00  }
0x20: {  	_ =	sfence.sel $0x180000  }
0x21: {  	[bflag:$0x0] =	sbarrier.arrive $0xFFFF  }
0x22: {  	p0 =	sne.s32 s0, $0x0;
	_ =	strace $0x9000004D  }
0x23: {  	s0 =	sadd.s32 @!p0 $0x100000, s1;
	[bflag:$0x2] =	sbarrier.arrive $0xFFFF  }
0x24: {  	[sflag:s0] =	ssyncadd.tile.s32 @!p0 $0x1;
	_ =	shalt  }
.Lfunc_end2:
_tile_overlayer_lowered:
.L_overlay_start_2:
0x25: {  	(tag) =	ssettag $0x2  }
0x26: {  	s0 =	rddreg [dreg:$0x0];
	s2 =	stileid.u32  }
0x27: {  	s1 =	rddreg [dreg:$0x1];
	p0 =	sne.s32 s2, $0x0  }
0x28: {  	s3 =	rddreg [dreg:$0x2];
	[bflag:$0x3] =	sbarrier.arrive $0xFFFF;
	s2 =	simm.s32 @!p0 $0x1C02  }
0x29: {  	[timem:s3], [sflag:s2] =	dma.local @!p0 [hbm:s0], s1  }
0x2a: {  	s0 =	simm.s32 @!p0 $0x2  }
0x2b: {  	_ =	swait.ge @!p0 [sflag:s0], s1  }
0x2c: {  	s1 =	ssub.s32 @!p0 $0x0, s1;
	[sflag:s0] =	ssyncset.done @!p0 $0x0  }
0x2d: {  	[sflag:s0] =	ssyncadd.s32 @!p0 s1  }
0x2e: {  	[bflag:$0x3] =	sbarrier.arrive $0xFFFF  }
0x2f: {  	_ =	shalt  }

// kernel: kernel.13.cloned.1.call-start
scs
__scs_entry_jumppad:
0x0: {  	(pc) =	sbr.rel $0x88, $3  }
0x1: {  	(tag) =	ssettag $0x0;
	lr =	simm.s32 $0x1  }
0x2: {  	[smem:$0x3F9C] =	sst lr;
	_ =	strace $0xD0000000  }
0x3: {  	_ = 	snop  }
0x4: {  	_ = 	snop  }
0x5: {  	_ = 	snop  }
0x6: {  	_ = 	snop  }
0x7: {  	_ = 	snop  }
__scs_overlays_trampoline_lowered:
0x8: {  	[smem:$0x3FAB] =	sst s0  }
0x9: {  	[smem:$0x3FAC] =	sst s1  }
0xa: {  	[smem:$0x3FAD] =	sst s2  }
0xb: {  	[smem:$0x3FAE] =	sst s3  }
0xc: {  	[smem:$0x3FAF] =	sst s4  }
0xd: {  	[smem:$0x3FB0] =	sst s5  }
0xe: {  	[smem:$0x3FB1] =	sst s6  }
0xf: {  	[smem:$0x3FB2] =	sst s7  }
0x10: {  	[smem:$0x3FB3] =	sst s8  }
0x11: {  	[smem:$0x3FB4] =	sst s9;
	s0 =	simm.s32 @!p0 $0x0  }
0x12: {  	s1 =	sld [smem:$0x3F9A];
	s0 =	simm.s32 @p0 $0x1  }
0x13: {  	[smem:$0x3FB5] =	sst s0;
	s0 =	simm.s32 @!p1 $0x0  }
0x14: {  	s2 =	sld [smem:$0x3F99];
	s0 =	simm.s32 @p1 $0x1  }
0x15: {  	[smem:$0x3FB6] =	sst s0;
	s0 =	simm.s32 @!p2 $0x0  }
0x16: {  	s3 =	sld [smem:$0x3FDB];
	s0 =	simm.s32 @p2 $0x1  }
0x17: {  	s4 =	simm.s32 $0x1BF5;
	[smem:$0x3FB8] =	sst s0  }
0x18: {  	s0 =	sld [smem:$0x3F9B];
	_ =	swait.ge [sflag:s4], $0x0  }
0x19: {  	s7 =	sld [smem:$0x3F9C]  }
0x1a: {  	s8 =	sadd.s32 $0xFFFFE003, lr  }
0x1b: {  	s9 =	sadd.s32 $0xFFFFFEF7, lr;
	s5 =	simm.s32 $0xFFFFFFFF;
	p2 =	slt.u32 s8, $0xFFFFF086  }
0x1c: {  	p1 =	slt.u32 s9, $0xF7A;
	s5 =	simm.s32 @!p2 $0x0  }
0x1d: {  	s5 =	simm.s32 @p1 $0x1;
	p0 =	seq.s32 s7, s2  }
0x1e: {  	s7 =	smul.u32 @!p0 $0xF7A, s2;
	p2 =	seq.s32 @!p0 s5, $0x0  }
0x1f: {  	s9 =	smul.u32 $0xF7A, s1;
	s8 =	simm.s32 @!p0 $0x1BF5;
	p2 =	por !p2, p0  }
0x20: {  	[sflag:s8] =	ssyncset.s32 @!p0 $0xFFFFF086;
	s6 =	sadd.s32 @!p0 s3, s7;
	s7 =	simm.s32 @!p0 $0x108  }
0x21: {  	s3 =	sadd.s32 s3, s9;
	s6 =	sadd.s32 @!p0 $0x88, s6;
	s7 =	simm.s32 @p2 $0x1082  }
0x22: {  	[simem:s7], [sflag:s8] =	dma.local @!p0 [hbm:s6], $0xF7A  }
0x23: {  	s9 =	sor.u32 $0xD0000000, s2;
	s6 =	simm.s32 $0x108;
	_ =	swait.ge @!p0 [sflag:s8], $0x0  }
0x24: {  	s3 =	sadd.s32 $0x88, s3;
	s6 =	simm.s32 @!p1 $0x1082;
	[sflag:s4] =	ssyncset.s32 $0xFFFFF086  }
0x25: {  	[simem:s6], [sflag:s4] =	dma.local [hbm:s3], $0xF7A  }
0x26: {  	[smem:$0x3F9C] =	sst s1;
	(tag) =	ssettag s2;
	_ =	strace s9  }
0x27: {  	s1 =	sld [smem:$0x3FAC]  }
0x28: {  	s2 =	sld [smem:$0x3FAD]  }
0x29: {  	s4 =	sld [smem:$0x3FAF]  }
0x2a: {  	p0 =	seq.s32 s5, $0x0;
	s5 =	sld [smem:$0x3FB0]  }
0x2b: {  	s6 =	sld [smem:$0x3FB1]  }
0x2c: {  	s7 =	sld [smem:$0x3FB2]  }
0x2d: {  	s3 =	simm.s32 $0x108;
	s8 =	sld [smem:$0x3FB3]  }
0x2e: {  	s3 =	simm.s32 @!p0 $0x1082;
	s9 =	sld [smem:$0x3FB4]  }
0x2f: {  	lr =	sadd.s32 s0, s3;
	s0 =	sld [smem:$0x3FAB]  }
0x30: {  	s3 =	sld [smem:$0x3FAE]  }
0x31: {  	[smem:$0x3FB7] =	sst s10  }
0x32: {  	s10 =	sld [smem:$0x3FB5];
	_ =	sdelay $0x3  }
0x33: {  	p0 =	seq.s32 s10, $0x1;
	s10 =	sld [smem:$0x3FB7];
	_ =	sdelay $0x3  }
0x34: {  	[smem:$0x3FB7] =	sst s10  }
0x35: {  	s10 =	sld [smem:$0x3FB6];
	_ =	sdelay $0x3  }
0x36: {  	p1 =	seq.s32 s10, $0x1;
	s10 =	sld [smem:$0x3FB7];
	_ =	sdelay $0x3  }
0x37: {  	[smem:$0x3FB7] =	sst s10  }
0x38: {  	s10 =	sld [smem:$0x3FB8]  }
0x39: {  	_ = 	snop;
	(pc) =	sbr.ind lr, $3  }
0x3a: {  	_ = 	snop  }
0x3b: {  	_ = 	snop  }
0x3c: {  	p2 =	seq.s32 s10, $0x1;
	s10 =	sld [smem:$0x3FB7]  }
0x3d: {  	_ =	shalt  }
0x3e: {  	_ =	shalt  }
0x3f: {  	_ =	shalt  }
0x40: {  	_ =	shalt  }
0x41: {  	_ =	shalt  }
0x42: {  	_ =	shalt  }
0x43: {  	_ =	shalt  }
0x44: {  	_ =	shalt  }
0x45: {  	_ =	shalt  }
0x46: {  	_ =	shalt  }
0x47: {  	_ =	shalt  }
0x48: {  	_ =	shalt  }
0x49: {  	_ =	shalt  }
0x4a: {  	_ =	shalt  }
0x4b: {  	_ =	shalt  }
0x4c: {  	_ =	shalt  }
0x4d: {  	_ =	shalt  }
0x4e: {  	_ =	shalt  }
0x4f: {  	_ =	shalt  }
0x50: {  	_ =	shalt  }
0x51: {  	_ =	shalt  }
0x52: {  	_ =	shalt  }
0x53: {  	_ =	shalt  }
0x54: {  	_ =	shalt  }
0x55: {  	_ =	shalt  }
0x56: {  	_ =	shalt  }
0x57: {  	_ =	shalt  }
0x58: {  	_ =	shalt  }
0x59: {  	_ =	shalt  }
0x5a: {  	_ =	shalt  }
0x5b: {  	_ =	shalt  }
0x5c: {  	_ =	shalt  }
0x5d: {  	_ =	shalt  }
0x5e: {  	_ =	shalt  }
0x5f: {  	_ =	shalt  }
0x60: {  	_ =	shalt  }
0x61: {  	_ =	shalt  }
0x62: {  	_ =	shalt  }
0x63: {  	_ =	shalt  }
0x64: {  	_ =	shalt  }
0x65: {  	_ =	shalt  }
0x66: {  	_ =	shalt  }
0x67: {  	_ =	shalt  }
0x68: {  	_ =	shalt  }
0x69: {  	_ =	shalt  }
0x6a: {  	_ =	shalt  }
0x6b: {  	_ =	shalt  }
0x6c: {  	_ =	shalt  }
0x6d: {  	_ =	shalt  }
0x6e: {  	_ =	shalt  }
0x6f: {  	_ =	shalt  }
0x70: {  	_ =	shalt  }
0x71: {  	_ =	shalt  }
0x72: {  	_ =	shalt  }
0x73: {  	_ =	shalt  }
0x74: {  	_ =	shalt  }
0x75: {  	_ =	shalt  }
0x76: {  	_ =	shalt  }
0x77: {  	_ =	shalt  }
0x78: {  	_ =	shalt  }
0x79: {  	_ =	shalt  }
0x7a: {  	_ =	shalt  }
0x7b: {  	_ =	shalt  }
0x7c: {  	_ =	shalt  }
0x7d: {  	_ =	shalt  }
0x7e: {  	_ =	shalt  }
0x7f: {  	_ =	shalt  }
0x80: {  	_ =	shalt  }
0x81: {  	_ =	shalt  }
0x82: {  	_ =	shalt  }
0x83: {  	_ =	shalt  }
0x84: {  	_ =	shalt  }
0x85: {  	_ =	shalt  }
0x86: {  	_ =	shalt  }
0x87: {  	_ =	shalt  }
.Lfunc_end0:
.L_simem_size_0:
called_computation.3_lowered:
.L_overlay_start_0:
0x88: {  	s2 =	sld [smem:$0x3FD9]  }
0x89: {  	s3 =	sld [smem:$0x3FFE];
	_ =	sdelay $0x1  }
0x8a: {  	s1 =	srdreg.scid  }
0x8b: {  	s0 =	sand.u32 $0x1, s1  }
0x8c: {  	s17 =	sshll.u32 s0, $0xA;
	s2 =	sadd.s32 s3, s2  }
0x8d: {  	s2 =	sadd.s32 s2, s17  }
0x8e: {  	[smem:$0x3FC3] =	sst s2  }
0x8f: {  	_ = 	snop  }
0x90: {  	s2 =	sld [smem:$0x3FD0];
	(tm) =	ssettm $0x1  }
0x91: {  	s18 =	sld [smem:$0x3FFB];
	_ =	sdelay $0x3  }
0x92: {  	_ =	strace s18  }
0x93: {  	s3 =	sld [smem:$0x3FFC];
	_ =	sdelay $0x3  }
0x94: {  	_ =	strace s3  }
0x95: {  	s3 =	sld [smem:$0x3FFD];
	_ =	sdelay $0x3  }
0x96: {  	_ =	strace s3  }
0x97: {  	_ =	strace $0x8FFFFFFF  }
0x98: {  	s19 =	sld [smem:$0x3FDB];
	_ =	sdelay $0x1  }
0x99: {  	s4 =	simm.s32 $_scs_section_size  }
0x9a: {  	s5 =	simm.s32 $_size__tile_overlayer_lowered;
	s6 =	simm.s32 $_tile_overlayer_lowered  }
0x9b: {  	s22 =	simm.s32 $0x1BFF;
	s21 =	sshll.u32 s6, $0x1;
	s3 =	sadd.s32 s4, s19  }
0x9c: {  	s7 =	simm.s32 $0x0;
	s20 =	sshll.u32 s5, $0x1;
	s5 =	sadd.s32 s21, s3  }
0x9d: {  	[timem:s7], [sflag:s22] =	dma.local [hbm:s5], s20  }
0x9e: {  	_ =	swait.ge [sflag:s22], s20  }
0x9f: {  	s4 =	ssub.s32 $0x0, s20;
	[sflag:s22] =	ssyncset.done $0x0  }
0xa0: {  	[sflag:s22] =	ssyncadd.s32 s4;
	_ =	sdelay $0x1  }
0xa1: {  	s23 =	simm.s32 $0x1B8B  }
0xa2: {  	_ =	swait.ge [sflag:s23], $0x1  }
0xa3: {  	[sflag:s23] =	ssyncset.done $0x0  }
0xa4: {  	s25 =	simm.s32 $0x1B8E;
	s24 =	sld [smem:$0x3FFE];
	[sflag:s23] =	ssyncadd.s32 $0xFFFFFFFF  }
0xa5: {  	s26 =	simm.s32 $execute0_lowered;
	[smem:$0x3FD2] =	sst s25  }
0xa6: {  	s5 =	sshll.u32 s26, $0x1;
	_ =	strace $0x8000004F;
	[dreg:$0x1] =	wrdreg $0xFFFFFFFF  }
0xa7: {  	s28 =	simm.s32 $_size_execute0_lowered;
	s3 =	sadd.s32 s3, s5;
	[dreg:$0x0] =	wrdreg $0x0  }
0xa8: {  	s5 =	sshll.u32 s28, $0x1;
	[dreg:$0x2] =	wrdreg s3  }
0xa9: {  	[dreg:$0x3] =	wrdreg s5  }
0xaa: {  	[dreg:$0x4] =	wrdreg $0xC0  }
0xab: {  	_ =	task [dreg:s7], $0x5FFFF  }
0xac: {  	[dreg:$0x1] =	wrdreg $0xFFFFFFFF  }
0xad: {  	[dreg:$0x0] =	wrdreg $0x60  }
0xae: {  	[dreg:$0x2] =	wrdreg s24  }
0xaf: {  	[dreg:$0x3] =	wrdreg s2  }
0xb0: {  	[dreg:$0x4] =	wrdreg $0x9  }
0xb1: {  	_ =	task.clear_ibuf [dreg:s7], $0x5FFFF;
	_ =	strace $0x9000004F  }
0xb2: {  	s29 =	simm.s32 $0x9;
	_ =	strace $0x80000051  }
0xb3: {  	_ =	swait.ge [sflag:s29], $0x1  }
0xb4: {  	[sflag:s29] =	ssyncadd.s32 $0xFFFFFFFF  }
0xb5: {  	_ =	strace $0x90000051  }
0xb6: {  	_ =	sfence  }
0xb7: {  	s30 =	sld [smem:$0x0];
	_ =	sdelay $0x2  }
0xb8: {  	s31 =	sshll.u32 s1, $0xD;
	s1 =	sshrl.u32 s1, $0x2  }
0xb9: {  	s3 =	sand.u32 $0x4000, s31;
	s1 =	sadd.s32 s1, s30  }
0xba: {  	s0 =	sor.u32 s3, s0;
	s1 =	sshll.u32 s1, $0x11  }
0xbb: {  	s0 =	sor.u32 s1, s0  }
0xbc: {  	s0 =	sadd.s32 $0x8F2B, s0  }
0xbd: {  	[sflag:s0] =	ssyncadd.remote.s32 $0x1  }
0xbe: {  	_ =	sfence.sel $0xFFFF  }
0xbf: {  	[dreg:$0x0] =	wrdreg $0xFFFFFFFF;
	(pc) =	sbr.abs _section_cstart, $3  }
0xc0: {  	[dreg:$0x1] =	wrdreg $0xFFFFFFFF  }
0xc1: {  	_ =	task.clear_ibuf [dreg:s7], $0x2FFFF;
	_ =	strace $0x9FFFFFFF  }
0xc2: {  	(tm) =	ssettm $0x7FFFFFFF  }
0xc3: {  	_ =	shalt  }
tec
execute0_lowered:
.L_overlay_start_1:
0x0: {  	(tag) =	ssettag $0x1  }
0x1: {  	s1 =	srdreg.scid;
	s0 =	stileid.u32  }
0x2: {  	s22 =	sand.u32 $0x1, s1;
	s31 =	sshll.u32 s0, $0x1  }
0x3: {  	s20 =	sor.u32 s22, s31  }
0x4: {  	s19 =	rddreg [dreg:$0x0];
	s1 =	smul.u32 $0x3, s20  }
0x5: {  	s25 =	rddreg [dreg:$0x1];
	s2 =	simm.s32 $0x0  }
0x6: {  	p0 =	slt.u32 s0, $0xD;
	s3 =	sshll.u32 s20, $0x2;
	s4 =	sadd.s32 $0x1A, s1  }
0x7: {  	[smem:$0x7FF] =	sst s2;
	s4 =	smov.u32 @p0 s3  }
0x8: {  	s13 =	sadd.s32 $0x21200, s19;
	s1 =	rddreg [dreg:$0x2];
	s11 =	sshll.u32 s4, $0xA  }
0x9: {  	_ =	strace $0x80000050;
	s4 =	simm.s32 $0x2;
	s3 =	sadd.s32 s13, s11  }
0xa: {  	[tilespmem:s2], [sflag:$0x2] =	stream.linear.gather [hbm4b:s3+s2], $0x2000, $0x38;
	[tilespmem:$0x4000] =	vst v63  }
0xb: {  	_ =	swait.ge [sflag:s4], $0x2000  }
0xc: {  	s6 =	simm.s32 $0x2000;
	[sflag:s4] =	ssyncset.done $0x0  }
0xd: {  	s7 =	simm.s32 $0x1;
	s5 =	sadd.s32 $0xE00, s19;
	[sflag:s4] =	ssyncadd.s32 $0xFFFFE000  }
0xe: {  	[tilespmem:s6], [sflag:$0x1] =	stream.indirect.gather [hbm4b:s5+s6], $0x1, s2, s6, $0xb8;
	[tilespmem:$0x4000] =	vst v63  }
0xf: {  	_ =	swait.ge [sflag:s7], $0x2000  }
0x10: {  	[sflag:s7] =	ssyncset.done $0x0  }
0x11: {  	s8 =	sadd.s32 s25, s11;
	[sflag:s7] =	ssyncadd.s32 $0xFFFFE000  }
0x12: {  	[hbm4b:s8+s2] =	stream.linear.scatter [tilespmem:s6], [sflag:$0x2], $0x2000, $0x38;
	[tilespmem:$0x4000] =	vst v63  }
0x13: {  	_ =	swait.ge [sflag:s4], $0x2000  }
0x14: {  	s10 =	sadd.s32 $0x400, s11;
	[sflag:s4] =	ssyncset.done $0x0  }
0x15: {  	s9 =	sadd.s32 s13, s10;
	[sflag:s4] =	ssyncadd.s32 $0xFFFFE000  }
0x16: {  	[tilespmem:s2], [sflag:$0x2] =	stream.linear.gather [hbm4b:s9+s2], $0x2000, $0x38;
	[tilespmem:$0x4000] =	vst v63  }
0x17: {  	_ =	swait.ge [sflag:s4], $0x2000  }
0x18: {  	[sflag:s4] =	ssyncset.done $0x0  }
0x19: {  	[sflag:s4] =	ssyncadd.s32 $0xFFFFE000  }
0x1a: {  	[tilespmem:s6], [sflag:$0x1] =	stream.indirect.gather [hbm4b:s5+s6], $0x1, s2, s6, $0xb8;
	[tilespmem:$0x4000] =	vst v63  }
0x1b: {  	_ =	swait.ge [sflag:s7], $0x2000  }
0x1c: {  	[sflag:s7] =	ssyncset.done $0x0  }
0x1d: {  	s10 =	sadd.s32 s25, s10;
	[sflag:s7] =	ssyncadd.s32 $0xFFFFE000  }
0x1e: {  	[hbm4b:s10+s2] =	stream.linear.scatter [tilespmem:s6], [sflag:$0x2], $0x2000, $0x38;
	[tilespmem:$0x4000] =	vst v63  }
0x1f: {  	_ =	swait.ge [sflag:s4], $0x2000  }
0x20: {  	s12 =	sadd.s32 $0x800, s11;
	[sflag:s4] =	ssyncset.done $0x0  }
0x21: {  	s11 =	sadd.s32 s13, s12;
	[sflag:s4] =	ssyncadd.s32 $0xFFFFE000  }
0x22: {  	[tilespmem:s2], [sflag:$0x2] =	stream.linear.gather [hbm4b:s11+s2], $0x2000, $0x38;
	[tilespmem:$0x4000] =	vst v63  }
0x23: {  	_ =	swait.ge [sflag:s4], $0x2000  }
0x24: {  	[sflag:s4] =	ssyncset.done $0x0  }
0x25: {  	[sflag:s4] =	ssyncadd.s32 $0xFFFFE000  }
0x26: {  	[tilespmem:s6], [sflag:$0x1] =	stream.indirect.gather [hbm4b:s5+s6], $0x1, s2, s6, $0xb8;
	[tilespmem:$0x4000] =	vst v63  }
0x27: {  	_ =	swait.ge [sflag:s7], $0x2000  }
0x28: {  	[sflag:s7] =	ssyncset.done $0x0  }
0x29: {  	s12 =	sadd.s32 s25, s12;
	[sflag:s7] =	ssyncadd.s32 $0xFFFFE000  }
0x2a: {  	[hbm4b:s12+s2] =	stream.linear.scatter [tilespmem:s6], [sflag:$0x2], $0x2000, $0x38;
	[tilespmem:$0x4000] =	vst v63  }
0x2b: {  	s14 =	sshll.u32 s20, $0xC;
	p0 =	sgt.u32 s0, $0xC;
	_ =	swait.ge [sflag:s4], $0x2000  }
0x2c: {  	s18 =	sor.u32 $0xC00, s14;
	s14 =	simm.s32 @!p0 $0x0;
	[sflag:s4] =	ssyncset.done $0x0  }
0x2d: {  	s15 =	simm.s32 @!p0 $0x2;
	s13 =	sadd.s32 s13, s18;
	[sflag:s4] =	ssyncadd.s32 $0xFFFFE000  }
0x2e: {  	[tilespmem:s14], [sflag:$0x2] =	stream.linear.gather @!p0 [hbm4b:s13+s14], $0x2000, $0x38;
	[tilespmem:$0x4000] =	vst v63  }
0x2f: {  	_ =	swait.ge @!p0 [sflag:s15], $0x2000  }
0x30: {  	[sflag:s15] =	ssyncset.done @!p0 $0x0  }
0x31: {  	s16 =	simm.s32 @!p0 $0x2000;
	s17 =	simm.s32 @!p0 $0x1;
	[sflag:s15] =	ssyncadd.s32 @!p0 $0xFFFFE000  }
0x32: {  	[tilespmem:s16], [sflag:$0x1] =	stream.indirect.gather @!p0 [hbm4b:s5+s16], $0x1, s14, s16, $0xb8;
	[tilespmem:$0x4000] =	vst v63  }
0x33: {  	_ =	swait.ge @!p0 [sflag:s17], $0x2000  }
0x34: {  	[sflag:s17] =	ssyncset.done @!p0 $0x0  }
0x35: {  	s18 =	sadd.s32 s25, s18;
	[sflag:s17] =	ssyncadd.s32 @!p0 $0xFFFFE000  }
0x36: {  	[hbm4b:s18+s14] =	stream.linear.scatter @!p0 [tilespmem:s16], [sflag:$0x2], $0x2000, $0x38;
	[tilespmem:$0x4000] =	vst v63  }
0x37: {  	s19 =	sadd.s32 $0x3FA00, s19;
	s26 =	ssub.s32 $0x2, s22;
	_ =	swait.ge @!p0 [sflag:s15], $0x2000  }
0x38: {  	p1 =	sne.s32 s20, $0x1F;
	s28 =	sshrl.u32 s26, $0x1;
	[sflag:s15] =	ssyncset.done @!p0 $0x0  }
0x39: {  	s21 =	simm.s32 @!p1 $0x0;
	s20 =	simm.s32 @!p1 $0x2;
	[sflag:s15] =	ssyncadd.s32 @!p0 $0xFFFFE000  }
0x3a: {  	[tilespmem:s21], [sflag:$0x2] =	stream.linear.gather @!p1 [hbm4b:s19+s21], $0x240, $0x38;
	[tilespmem:$0x4000] =	vst v63  }
0x3b: {  	s22 =	simm.s32 @!p1 $0x240;
	s26 =	ssub.s32 s26, s28;
	_ =	swait.ge @!p1 [sflag:s20], $0x240  }
0x3c: {  	s23 =	simm.s32 @!p1 $0x2000;
	s26 =	smax.u32 s26, $0x1;
	[sflag:s20] =	ssyncset.done @!p1 $0x0  }
0x3d: {  	s24 =	simm.s32 @!p1 $0x1;
	s26 =	sadd.s32 $0xFFFFFFFF, s26;
	[sflag:s20] =	ssyncadd.s32 @!p1 $0xFFFFFDC0  }
0x3e: {  	[tilespmem:s23], [sflag:$0x1] =	stream.indirect.gather @!p1 [hbm4b:s5+s22], $0x1, s21, s22, $0xb8;
	[tilespmem:$0x4000] =	vst v63  }
0x3f: {  	p2 =	sne.s32 s26, $0x0;
	_ =	swait.ge @!p1 [sflag:s24], $0x240  }
.Ltmp0:
0x40: {  	[sflag:s24] =	ssyncset.done @!p1 $0x0;
	(pc) =	sbr.rel @!p2 .LBB2_2-.Ltmp0, $4  }
0x41: {  	s25 =	sadd.s32 $0x1E800, s25;
	[sflag:s24] =	ssyncadd.s32 @!p1 $0xFFFFFDC0  }
0x42: {  	[hbm4b:s25+s21] =	stream.linear.scatter @!p1 [tilespmem:s23], [sflag:$0x2], $0x240, $0x38;
	[tilespmem:$0x4000] =	vst v63  }
0x43: {  	_ =	swait.ge @!p1 [sflag:s20], $0x240  }
0x44: {  	[sflag:s20] =	ssyncset.done @!p1 $0x0  }
.LBB2_1:
0x45: {  	s26 =	sadd.s32 $0xFFFFFFFF, s26;
	[sflag:s20] =	ssyncadd.s32 @!p1 $0xFFFFFDC0  }
0x46: {  	[tilespmem:s2], [sflag:$0x2] =	stream.linear.gather [hbm4b:s3+s2], $0x2000, $0x38;
	[tilespmem:$0x4000] =	vst v63  }
0x47: {  	p2 =	sne.s32 s26, $0x0;
	_ =	swait.ge [sflag:s4], $0x2000  }
0x48: {  	[sflag:s4] =	ssyncset.done $0x0  }
0x49: {  	[sflag:s4] =	ssyncadd.s32 $0xFFFFE000  }
0x4a: {  	[tilespmem:s6], [sflag:$0x1] =	stream.indirect.gather [hbm4b:s5+s6], $0x1, s2, s6, $0xb8;
	[tilespmem:$0x4000] =	vst v63  }
0x4b: {  	_ =	swait.ge [sflag:s7], $0x2000  }
0x4c: {  	[sflag:s7] =	ssyncset.done $0x0  }
0x4d: {  	[sflag:s7] =	ssyncadd.s32 $0xFFFFE000  }
0x4e: {  	[hbm4b:s8+s2] =	stream.linear.scatter [tilespmem:s6], [sflag:$0x2], $0x2000, $0x38;
	[tilespmem:$0x4000] =	vst v63  }
0x4f: {  	_ =	swait.ge [sflag:s4], $0x2000  }
0x50: {  	[sflag:s4] =	ssyncset.done $0x0  }
0x51: {  	[sflag:s4] =	ssyncadd.s32 $0xFFFFE000  }
0x52: {  	[tilespmem:s2], [sflag:$0x2] =	stream.linear.gather [hbm4b:s9+s2], $0x2000, $0x38;
	[tilespmem:$0x4000] =	vst v63  }
0x53: {  	_ =	swait.ge [sflag:s4], $0x2000  }
0x54: {  	[sflag:s4] =	ssyncset.done $0x0  }
0x55: {  	[sflag:s4] =	ssyncadd.s32 $0xFFFFE000  }
0x56: {  	[tilespmem:s6], [sflag:$0x1] =	stream.indirect.gather [hbm4b:s5+s6], $0x1, s2, s6, $0xb8;
	[tilespmem:$0x4000] =	vst v63  }
0x57: {  	_ =	swait.ge [sflag:s7], $0x2000  }
0x58: {  	[sflag:s7] =	ssyncset.done $0x0  }
0x59: {  	[sflag:s7] =	ssyncadd.s32 $0xFFFFE000  }
0x5a: {  	[hbm4b:s10+s2] =	stream.linear.scatter [tilespmem:s6], [sflag:$0x2], $0x2000, $0x38;
	[tilespmem:$0x4000] =	vst v63  }
0x5b: {  	_ =	swait.ge [sflag:s4], $0x2000  }
0x5c: {  	[sflag:s4] =	ssyncset.done $0x0  }
0x5d: {  	[sflag:s4] =	ssyncadd.s32 $0xFFFFE000  }
0x5e: {  	[tilespmem:s2], [sflag:$0x2] =	stream.linear.gather [hbm4b:s11+s2], $0x2000, $0x38;
	[tilespmem:$0x4000] =	vst v63  }
0x5f: {  	_ =	swait.ge [sflag:s4], $0x2000  }
0x60: {  	[sflag:s4] =	ssyncset.done $0x0  }
0x61: {  	[sflag:s4] =	ssyncadd.s32 $0xFFFFE000  }
0x62: {  	[tilespmem:s6], [sflag:$0x1] =	stream.indirect.gather [hbm4b:s5+s6], $0x1, s2, s6, $0xb8;
	[tilespmem:$0x4000] =	vst v63  }
0x63: {  	_ =	swait.ge [sflag:s7], $0x2000  }
0x64: {  	[sflag:s7] =	ssyncset.done $0x0  }
0x65: {  	[sflag:s7] =	ssyncadd.s32 $0xFFFFE000  }
0x66: {  	[hbm4b:s12+s2] =	stream.linear.scatter [tilespmem:s6], [sflag:$0x2], $0x2000, $0x38;
	[tilespmem:$0x4000] =	vst v63  }
0x67: {  	_ =	swait.ge [sflag:s4], $0x2000  }
0x68: {  	[sflag:s4] =	ssyncset.done $0x0  }
0x69: {  	[sflag:s4] =	ssyncadd.s32 $0xFFFFE000  }
0x6a: {  	[tilespmem:s14], [sflag:$0x2] =	stream.linear.gather @!p0 [hbm4b:s13+s14], $0x2000, $0x38;
	[tilespmem:$0x4000] =	vst v63  }
0x6b: {  	_ =	swait.ge @!p0 [sflag:s15], $0x2000  }
0x6c: {  	[sflag:s15] =	ssyncset.done @!p0 $0x0  }
0x6d: {  	[sflag:s15] =	ssyncadd.s32 @!p0 $0xFFFFE000  }
0x6e: {  	[tilespmem:s16], [sflag:$0x1] =	stream.indirect.gather @!p0 [hbm4b:s5+s16], $0x1, s14, s16, $0xb8;
	[tilespmem:$0x4000] =	vst v63  }
0x6f: {  	_ =	swait.ge @!p0 [sflag:s17], $0x2000  }
0x70: {  	[sflag:s17] =	ssyncset.done @!p0 $0x0  }
0x71: {  	[sflag:s17] =	ssyncadd.s32 @!p0 $0xFFFFE000  }
0x72: {  	[hbm4b:s18+s14] =	stream.linear.scatter @!p0 [tilespmem:s16], [sflag:$0x2], $0x2000, $0x38;
	[tilespmem:$0x4000] =	vst v63  }
0x73: {  	_ =	swait.ge @!p0 [sflag:s15], $0x2000  }
0x74: {  	[sflag:s15] =	ssyncset.done @!p0 $0x0  }
0x75: {  	[sflag:s15] =	ssyncadd.s32 @!p0 $0xFFFFE000  }
0x76: {  	[tilespmem:s21], [sflag:$0x2] =	stream.linear.gather @!p1 [hbm4b:s19+s21], $0x240, $0x38;
	[tilespmem:$0x4000] =	vst v63  }
0x77: {  	_ =	swait.ge @!p1 [sflag:s20], $0x240  }
0x78: {  	[sflag:s20] =	ssyncset.done @!p1 $0x0  }
0x79: {  	[sflag:s20] =	ssyncadd.s32 @!p1 $0xFFFFFDC0  }
0x7a: {  	[tilespmem:s23], [sflag:$0x1] =	stream.indirect.gather @!p1 [hbm4b:s5+s22], $0x1, s21, s22, $0xb8;
	[tilespmem:$0x4000] =	vst v63  }
0x7b: {  	_ =	swait.ge @!p1 [sflag:s24], $0x240  }
.Ltmp1:
0x7c: {  	[sflag:s24] =	ssyncset.done @!p1 $0x0;
	(pc) =	sbr.rel @p2 .LBB2_1-.Ltmp1, $4  }
0x7d: {  	[sflag:s24] =	ssyncadd.s32 @!p1 $0xFFFFFDC0  }
0x7e: {  	[hbm4b:s25+s21] =	stream.linear.scatter @!p1 [tilespmem:s23], [sflag:$0x2], $0x240, $0x38;
	[tilespmem:$0x4000] =	vst v63  }
0x7f: {  	_ =	swait.ge @!p1 [sflag:s20], $0x240  }
0x80: {  	[sflag:s20] =	ssyncset.done @!p1 $0x0  }
.LBB2_2:
0x81: {  	[sflag:s20] =	ssyncadd.s32 @!p1 $0xFFFFFDC0  }
0x82: {  	_ =	sfence.sel $0x180000  }
0x83: {  	[bflag:$0x0] =	sbarrier.arrive $0xFFFF  }
0x84: {  	p0 =	sne.s32 s0, $0x0;
	_ =	strace $0x90000050  }
0x85: {  	s0 =	sadd.s32 @!p0 $0x100000, s1;
	[bflag:$0x2] =	sbarrier.arrive $0xFFFF  }
0x86: {  	[sflag:s0] =	ssyncadd.tile.s32 @!p0 $0x1;
	_ =	shalt  }
.Lfunc_end2:
_tile_overlayer_lowered:
.L_overlay_start_2:
0x87: {  	(tag) =	ssettag $0x2  }
0x88: {  	s0 =	rddreg [dreg:$0x0];
	s2 =	stileid.u32  }
0x89: {  	s1 =	rddreg [dreg:$0x1];
	p0 =	sne.s32 s2, $0x0  }
0x8a: {  	s3 =	rddreg [dreg:$0x2];
	[bflag:$0x3] =	sbarrier.arrive $0xFFFF;
	s2 =	simm.s32 @!p0 $0x1C02  }
0x8b: {  	[timem:s3], [sflag:s2] =	dma.local @!p0 [hbm:s0], s1  }
0x8c: {  	s0 =	simm.s32 @!p0 $0x2  }
0x8d: {  	_ =	swait.ge @!p0 [sflag:s0], s1  }
0x8e: {  	s1 =	ssub.s32 @!p0 $0x0, s1;
	[sflag:s0] =	ssyncset.done @!p0 $0x0  }
0x8f: {  	[sflag:s0] =	ssyncadd.s32 @!p0 s1  }
0x90: {  	[bflag:$0x3] =	sbarrier.arrive $0xFFFF  }
0x91: {  	_ =	shalt  }

// kernel: kernel.7.cloned.1.call-start
scs
__scs_entry_jumppad:
0x0: {  	(pc) =	sbr.rel $0x88, $3  }
0x1: {  	(tag) =	ssettag $0x0;
	lr =	simm.s32 $0x1  }
0x2: {  	[smem:$0x3F9C] =	sst lr;
	_ =	strace $0xD0000000  }
0x3: {  	_ = 	snop  }
0x4: {  	_ = 	snop  }
0x5: {  	_ = 	snop  }
0x6: {  	_ = 	snop  }
0x7: {  	_ = 	snop  }
__scs_overlays_trampoline_lowered:
0x8: {  	[smem:$0x3FAB] =	sst s0  }
0x9: {  	[smem:$0x3FAC] =	sst s1  }
0xa: {  	[smem:$0x3FAD] =	sst s2  }
0xb: {  	[smem:$0x3FAE] =	sst s3  }
0xc: {  	[smem:$0x3FAF] =	sst s4  }
0xd: {  	[smem:$0x3FB0] =	sst s5  }
0xe: {  	[smem:$0x3FB1] =	sst s6  }
0xf: {  	[smem:$0x3FB2] =	sst s7  }
0x10: {  	[smem:$0x3FB3] =	sst s8  }
0x11: {  	[smem:$0x3FB4] =	sst s9;
	s0 =	simm.s32 @!p0 $0x0  }
0x12: {  	s1 =	sld [smem:$0x3F9A];
	s0 =	simm.s32 @p0 $0x1  }
0x13: {  	[smem:$0x3FB5] =	sst s0;
	s0 =	simm.s32 @!p1 $0x0  }
0x14: {  	s2 =	sld [smem:$0x3F99];
	s0 =	simm.s32 @p1 $0x1  }
0x15: {  	[smem:$0x3FB6] =	sst s0;
	s0 =	simm.s32 @!p2 $0x0  }
0x16: {  	s3 =	sld [smem:$0x3FDB];
	s0 =	simm.s32 @p2 $0x1  }
0x17: {  	s4 =	simm.s32 $0x1BF5;
	[smem:$0x3FB8] =	sst s0  }
0x18: {  	s0 =	sld [smem:$0x3F9B];
	_ =	swait.ge [sflag:s4], $0x0  }
0x19: {  	s7 =	sld [smem:$0x3F9C]  }
0x1a: {  	s8 =	sadd.s32 $0xFFFFE003, lr  }
0x1b: {  	s9 =	sadd.s32 $0xFFFFFEF7, lr;
	s5 =	simm.s32 $0xFFFFFFFF;
	p2 =	slt.u32 s8, $0xFFFFF086  }
0x1c: {  	p1 =	slt.u32 s9, $0xF7A;
	s5 =	simm.s32 @!p2 $0x0  }
0x1d: {  	s5 =	simm.s32 @p1 $0x1;
	p0 =	seq.s32 s7, s2  }
0x1e: {  	s7 =	smul.u32 @!p0 $0xF7A, s2;
	p2 =	seq.s32 @!p0 s5, $0x0  }
0x1f: {  	s9 =	smul.u32 $0xF7A, s1;
	s8 =	simm.s32 @!p0 $0x1BF5;
	p2 =	por !p2, p0  }
0x20: {  	[sflag:s8] =	ssyncset.s32 @!p0 $0xFFFFF086;
	s6 =	sadd.s32 @!p0 s3, s7;
	s7 =	simm.s32 @!p0 $0x108  }
0x21: {  	s3 =	sadd.s32 s3, s9;
	s6 =	sadd.s32 @!p0 $0x88, s6;
	s7 =	simm.s32 @p2 $0x1082  }
0x22: {  	[simem:s7], [sflag:s8] =	dma.local @!p0 [hbm:s6], $0xF7A  }
0x23: {  	s9 =	sor.u32 $0xD0000000, s2;
	s6 =	simm.s32 $0x108;
	_ =	swait.ge @!p0 [sflag:s8], $0x0  }
0x24: {  	s3 =	sadd.s32 $0x88, s3;
	s6 =	simm.s32 @!p1 $0x1082;
	[sflag:s4] =	ssyncset.s32 $0xFFFFF086  }
0x25: {  	[simem:s6], [sflag:s4] =	dma.local [hbm:s3], $0xF7A  }
0x26: {  	[smem:$0x3F9C] =	sst s1;
	(tag) =	ssettag s2;
	_ =	strace s9  }
0x27: {  	s1 =	sld [smem:$0x3FAC]  }
0x28: {  	s2 =	sld [smem:$0x3FAD]  }
0x29: {  	s4 =	sld [smem:$0x3FAF]  }
0x2a: {  	p0 =	seq.s32 s5, $0x0;
	s5 =	sld [smem:$0x3FB0]  }
0x2b: {  	s6 =	sld [smem:$0x3FB1]  }
0x2c: {  	s7 =	sld [smem:$0x3FB2]  }
0x2d: {  	s3 =	simm.s32 $0x108;
	s8 =	sld [smem:$0x3FB3]  }
0x2e: {  	s3 =	simm.s32 @!p0 $0x1082;
	s9 =	sld [smem:$0x3FB4]  }
0x2f: {  	lr =	sadd.s32 s0, s3;
	s0 =	sld [smem:$0x3FAB]  }
0x30: {  	s3 =	sld [smem:$0x3FAE]  }
0x31: {  	[smem:$0x3FB7] =	sst s10  }
0x32: {  	s10 =	sld [smem:$0x3FB5];
	_ =	sdelay $0x3  }
0x33: {  	p0 =	seq.s32 s10, $0x1;
	s10 =	sld [smem:$0x3FB7];
	_ =	sdelay $0x3  }
0x34: {  	[smem:$0x3FB7] =	sst s10  }
0x35: {  	s10 =	sld [smem:$0x3FB6];
	_ =	sdelay $0x3  }
0x36: {  	p1 =	seq.s32 s10, $0x1;
	s10 =	sld [smem:$0x3FB7];
	_ =	sdelay $0x3  }
0x37: {  	[smem:$0x3FB7] =	sst s10  }
0x38: {  	s10 =	sld [smem:$0x3FB8]  }
0x39: {  	_ = 	snop;
	(pc) =	sbr.ind lr, $3  }
0x3a: {  	_ = 	snop  }
0x3b: {  	_ = 	snop  }
0x3c: {  	p2 =	seq.s32 s10, $0x1;
	s10 =	sld [smem:$0x3FB7]  }
0x3d: {  	_ =	shalt  }
0x3e: {  	_ =	shalt  }
0x3f: {  	_ =	shalt  }
0x40: {  	_ =	shalt  }
0x41: {  	_ =	shalt  }
0x42: {  	_ =	shalt  }
0x43: {  	_ =	shalt  }
0x44: {  	_ =	shalt  }
0x45: {  	_ =	shalt  }
0x46: {  	_ =	shalt  }
0x47: {  	_ =	shalt  }
0x48: {  	_ =	shalt  }
0x49: {  	_ =	shalt  }
0x4a: {  	_ =	shalt  }
0x4b: {  	_ =	shalt  }
0x4c: {  	_ =	shalt  }
0x4d: {  	_ =	shalt  }
0x4e: {  	_ =	shalt  }
0x4f: {  	_ =	shalt  }
0x50: {  	_ =	shalt  }
0x51: {  	_ =	shalt  }
0x52: {  	_ =	shalt  }
0x53: {  	_ =	shalt  }
0x54: {  	_ =	shalt  }
0x55: {  	_ =	shalt  }
0x56: {  	_ =	shalt  }
0x57: {  	_ =	shalt  }
0x58: {  	_ =	shalt  }
0x59: {  	_ =	shalt  }
0x5a: {  	_ =	shalt  }
0x5b: {  	_ =	shalt  }
0x5c: {  	_ =	shalt  }
0x5d: {  	_ =	shalt  }
0x5e: {  	_ =	shalt  }
0x5f: {  	_ =	shalt  }
0x60: {  	_ =	shalt  }
0x61: {  	_ =	shalt  }
0x62: {  	_ =	shalt  }
0x63: {  	_ =	shalt  }
0x64: {  	_ =	shalt  }
0x65: {  	_ =	shalt  }
0x66: {  	_ =	shalt  }
0x67: {  	_ =	shalt  }
0x68: {  	_ =	shalt  }
0x69: {  	_ =	shalt  }
0x6a: {  	_ =	shalt  }
0x6b: {  	_ =	shalt  }
0x6c: {  	_ =	shalt  }
0x6d: {  	_ =	shalt  }
0x6e: {  	_ =	shalt  }
0x6f: {  	_ =	shalt  }
0x70: {  	_ =	shalt  }
0x71: {  	_ =	shalt  }
0x72: {  	_ =	shalt  }
0x73: {  	_ =	shalt  }
0x74: {  	_ =	shalt  }
0x75: {  	_ =	shalt  }
0x76: {  	_ =	shalt  }
0x77: {  	_ =	shalt  }
0x78: {  	_ =	shalt  }
0x79: {  	_ =	shalt  }
0x7a: {  	_ =	shalt  }
0x7b: {  	_ =	shalt  }
0x7c: {  	_ =	shalt  }
0x7d: {  	_ =	shalt  }
0x7e: {  	_ =	shalt  }
0x7f: {  	_ =	shalt  }
0x80: {  	_ =	shalt  }
0x81: {  	_ =	shalt  }
0x82: {  	_ =	shalt  }
0x83: {  	_ =	shalt  }
0x84: {  	_ =	shalt  }
0x85: {  	_ =	shalt  }
0x86: {  	_ =	shalt  }
0x87: {  	_ =	shalt  }
.Lfunc_end0:
.L_simem_size_0:
called_computation.1_lowered:
.L_overlay_start_0:
0x88: {  	s2 =	sld [smem:$0x3FD9]  }
0x89: {  	s3 =	sld [smem:$0x3FFE];
	_ =	sdelay $0x1  }
0x8a: {  	s1 =	srdreg.scid  }
0x8b: {  	s0 =	sand.u32 $0x1, s1  }
0x8c: {  	s17 =	sshll.u32 s0, $0xA;
	s2 =	sadd.s32 s3, s2  }
0x8d: {  	s2 =	sadd.s32 s2, s17  }
0x8e: {  	[smem:$0x3FC3] =	sst s2  }
0x8f: {  	_ = 	snop  }
0x90: {  	s2 =	sld [smem:$0x3FC5]  }
0x91: {  	s18 =	sld [smem:$0x3FD0];
	(tm) =	ssettm $0x1  }
0x92: {  	s4 =	sld [smem:$0x3FFB];
	_ =	sdelay $0x3  }
0x93: {  	_ =	strace s4  }
0x94: {  	s4 =	sld [smem:$0x3FFC];
	_ =	sdelay $0x3  }
0x95: {  	_ =	strace s4  }
0x96: {  	s4 =	sld [smem:$0x3FFD];
	_ =	sdelay $0x3  }
0x97: {  	_ =	strace s4  }
0x98: {  	_ =	strace $0x8FFFFFFF  }
0x99: {  	s19 =	sld [smem:$0x3FDB];
	_ =	sdelay $0x1  }
0x9a: {  	s5 =	simm.s32 $_scs_section_size  }
0x9b: {  	s6 =	simm.s32 $_size__tile_overlayer_lowered;
	s7 =	simm.s32 $_tile_overlayer_lowered  }
0x9c: {  	s22 =	simm.s32 $0x1BFF;
	s21 =	sshll.u32 s7, $0x1;
	s4 =	sadd.s32 s5, s19  }
0x9d: {  	s8 =	simm.s32 $0x0;
	s20 =	sshll.u32 s6, $0x1;
	s6 =	sadd.s32 s21, s4  }
0x9e: {  	[timem:s8], [sflag:s22] =	dma.local [hbm:s6], s20  }
0x9f: {  	_ =	swait.ge [sflag:s22], s20  }
0xa0: {  	s5 =	ssub.s32 $0x0, s20;
	[sflag:s22] =	ssyncset.done $0x0  }
0xa1: {  	[sflag:s22] =	ssyncadd.s32 s5;
	_ =	sdelay $0x1  }
0xa2: {  	s23 =	simm.s32 $0x1B8B  }
0xa3: {  	_ =	swait.ge [sflag:s23], $0x1  }
0xa4: {  	[sflag:s23] =	ssyncset.done $0x0  }
0xa5: {  	s25 =	simm.s32 $0x1B8E;
	s24 =	sld [smem:$0x3FFE];
	[sflag:s23] =	ssyncadd.s32 $0xFFFFFFFF  }
0xa6: {  	s26 =	simm.s32 $execute0_lowered;
	[smem:$0x3FD2] =	sst s25  }
0xa7: {  	s6 =	sshll.u32 s26, $0x1;
	_ =	strace $0x80000049;
	[dreg:$0x1] =	wrdreg $0xFFFFFFFF  }
0xa8: {  	s28 =	simm.s32 $_size_execute0_lowered;
	s4 =	sadd.s32 s4, s6;
	[dreg:$0x0] =	wrdreg $0x0  }
0xa9: {  	s6 =	sshll.u32 s28, $0x1;
	[dreg:$0x2] =	wrdreg s4  }
0xaa: {  	[dreg:$0x3] =	wrdreg s6  }
0xab: {  	[dreg:$0x4] =	wrdreg $0xC0  }
0xac: {  	_ =	task [dreg:s8], $0x5FFFF  }
0xad: {  	[dreg:$0x1] =	wrdreg $0xFFFFFFFF  }
0xae: {  	[dreg:$0x0] =	wrdreg $0x60  }
0xaf: {  	[dreg:$0x2] =	wrdreg s2  }
0xb0: {  	[dreg:$0x3] =	wrdreg s24  }
0xb1: {  	[dreg:$0x4] =	wrdreg s18  }
0xb2: {  	[dreg:$0x5] =	wrdreg $0x9  }
0xb3: {  	_ =	task.clear_ibuf [dreg:s8], $0x6FFFF;
	_ =	strace $0x90000049  }
0xb4: {  	s29 =	simm.s32 $0x9;
	_ =	strace $0x8000004B  }
0xb5: {  	_ =	swait.ge [sflag:s29], $0x1  }
0xb6: {  	[sflag:s29] =	ssyncadd.s32 $0xFFFFFFFF  }
0xb7: {  	_ =	strace $0x9000004B  }
0xb8: {  	_ =	sfence  }
0xb9: {  	s30 =	sld [smem:$0x0];
	_ =	sdelay $0x2  }
0xba: {  	s31 =	sshll.u32 s1, $0xD;
	s1 =	sshrl.u32 s1, $0x2  }
0xbb: {  	s3 =	sand.u32 $0x4000, s31;
	s1 =	sadd.s32 s1, s30  }
0xbc: {  	s0 =	sor.u32 s3, s0;
	s1 =	sshll.u32 s1, $0x11  }
0xbd: {  	s0 =	sor.u32 s1, s0  }
0xbe: {  	s0 =	sadd.s32 $0x8F2B, s0  }
0xbf: {  	[sflag:s0] =	ssyncadd.remote.s32 $0x1  }
0xc0: {  	_ =	sfence.sel $0xFFFF  }
0xc1: {  	[dreg:$0x0] =	wrdreg $0xFFFFFFFF;
	(pc) =	sbr.abs _section_cstart, $3  }
0xc2: {  	[dreg:$0x1] =	wrdreg $0xFFFFFFFF  }
0xc3: {  	_ =	task.clear_ibuf [dreg:s8], $0x2FFFF;
	_ =	strace $0x9FFFFFFF  }
0xc4: {  	(tm) =	ssettm $0x7FFFFFFF  }
0xc5: {  	_ =	shalt  }
tec
execute0_lowered:
.L_overlay_start_1:
0x0: {  	(tag) =	ssettag $0x1  }
0x1: {  	s1 =	rddreg [dreg:$0x0]  }
0x2: {  	s5 =	rddreg [dreg:$0x1]  }
0x3: {  	s3 =	rddreg [dreg:$0x2];
	s4 =	srdreg.scid  }
0x4: {  	v0 =	vlaneseq.u32;
	s0 =	rddreg [dreg:$0x3];
	s2 =	stileid.u32;
	s10 =	simm.s32 $0x6480  }
0x5: {  	s11 =	simm.s32 $0x400;
	s12 =	simm.s32 $0xC3800;
	s13 =	simm.s32 $0x80;
	v1 =	vmul.u32 $0x80, v0  }
0x6: {  	s14 =	simm.s32 $0x800;
	s15 =	simm.s32 $0x8480;
	s16 =	simm.s32 $0xC480;
	v14 =	vor.u32 $0x10, v0;
	v15 =	vor.u32 $0x20, v0;
	v16 =	vor.u32 $0x30, v0  }
0x7: {  	s17 =	simm.s32 $0x0;
	s6 =	sand.u32 $0x1, s4;
	s4 =	simm.s32 $0x0;
	v17 =	vor.u32 $0x40, v0;
	v18 =	vor.u32 $0x50, v0;
	v19 =	vor.u32 $0x60, v0  }
0x8: {  	s7 =	sshll.u32 s2, $0x8;
	v20 =	vor.u32 $0x70, v0;
	v21 =	vor.u32 $0x400, v0;
	v22 =	vor.u32 $0x410, v0;
	s8 =	sshll.u32 s6, $0x7;
	[smem:$0x7FF] =	sst s4  }
.Ltmp0:
0x9: {  	v23 =	vor.u32 $0x420, v0;
	v24 =	vor.u32 $0x430, v0;
	v25 =	vadd.s32 $0x438, v0;
	s6 =	ssub.s32 $0x2, s6;
	s7 =	sor.u32 s8, s7;
	(pc) =	sbr.rel .LBB2_1-.Ltmp0, $4  }
0xa: {  	v2 =	vor.u32 $0x800, v1;
	v3 =	vor.u32 $0x1000, v1;
	v4 =	vor.u32 $0x1800, v1;
	_ =	strace $0x8000004A;
	s8 =	sshrl.u32 s7, $0x3;
	s7 =	sshll.u32 s7, $0x5  }
0xb: {  	v5 =	vor.u32 $0x2000, v1;
	v6 =	vor.u32 $0x2800, v1;
	v7 =	vor.u32 $0x3000, v1;
	s9 =	sshrl.u32 s6, $0x1;
	s8 =	sadd.s32 s8, s5;
	s7 =	sadd.s32 s7, s5  }
0xc: {  	v8 =	vor.u32 $0x3800, v1;
	v9 =	vor.u32 $0x4000, v1;
	v10 =	vor.u32 $0x4800, v1;
	s9 =	ssub.s32 s6, s9;
	s5 =	sadd.s32 $0xE00, s8;
	s6 =	sadd.s32 $0x1000, s7  }
0xd: {  	v11 =	vor.u32 $0x5000, v1;
	v12 =	vor.u32 $0x5800, v1;
	v13 =	vadd.s32 $0x5C00, v1;
	s7 =	sadd.s32 $0x1080, s7;
	s8 =	smax.u32 s9, $0x1;
	s9 =	simm.s32 $0x1  }
.LBB2_8:
0xe: {  	[hbm4b:s6+s11] =	stream.strided.scatter [tilespmem:s15], [sflag:$0x1], $0x4000, s14, s11, $0x38;
	[tilespmem:$0x10480] =	vst v63  }
0xf: {  	s17 =	sadd.s32 $0x1, s17;
	_ =	swait.ge [sflag:s9], $0x4000  }
0x10: {  	p0 =	sne.s32 s17, s8;
	[sflag:s9] =	ssyncset.done $0x0  }
.Ltmp1:
0x11: {  	[sflag:s9] =	ssyncadd.s32 $0xFFFFC000;
	(pc) =	sbr.rel @!p0 .LBB2_9-.Ltmp1, $4  }
0x12: {  	[hbm4b:s7+s11] =	stream.strided.scatter [tilespmem:s16], [sflag:$0x1], $0x4000, s14, s11, $0x38;
	[tilespmem:$0x10480] =	vst v63  }
0x13: {  	_ =	swait.ge [sflag:s9], $0x4000  }
0x14: {  	[sflag:s9] =	ssyncset.done $0x0  }
0x15: {  	[sflag:s9] =	ssyncadd.s32 $0xFFFFC000  }
.LBB2_1:
0x16: {  	[tilespmem:s4], [sflag:$0x1] =	stream.linear.gather [hbm4b:s5+s4], $0x80, $0x38;
	[tilespmem:$0x10480] =	vst v63  }
0x17: {  	_ =	swait.ge [sflag:s9], $0x80  }
0x18: {  	[sflag:s9] =	ssyncset.done $0x0  }
.Ltmp2:
0x19: {  	[sflag:s9] =	ssyncadd.s32 $0xFFFFFF80;
	(pc) =	sbr.rel .LBB2_2-.Ltmp2, $4  }
0x1a: {  	[tilespmem:s10], [sflag:$0x1] =	stream.linear.gather [hbm4b:s3+s4], $0x2000, $0x38;
	[tilespmem:$0x10480] =	vst v63  }
0x1b: {  	_ =	swait.ge [sflag:s9], $0x2000  }
0x1c: {  	s18 =	simm.s32 $0xFFFFFFFF;
	s19 =	simm.s32 $0x84C0;
	[sflag:s9] =	ssyncset.done $0x0  }
0x1d: {  	s20 =	simm.s32 $0xC4A0;
	s21 =	simm.s32 $0x0;
	[sflag:s9] =	ssyncadd.s32 $0xFFFFE000  }
.LBB2_6:
0x1e: {  	s24 =	sadd.s32 $0x7FFE7980, s24  }
0x1f: {  	v26 =	vmov s24  }
0x20: {  	v27 =	vshll.u32 v26, $0x8;
	v26 =	vshll.u32 v26, $0x7  }
0x21: {  	v27 =	vand.u32 $0xFFFFF800, v27;
	v26 =	vand.u32 $0x380, v26  }
0x22: {  	v26 =	vor.u32 v26, v27  }
0x23: {  	v27 =	vor.u32 v0, v26;
	_ =	sdelay $0x4  }
0x24: {  	v27 =	vld.idx.msk [tilespmem:v27+s10+$0x0], $0xffff  }
0x25: {  	v28 =	vor.u32 v14, v26;
	_ =	sdelay $0x3  }
0x26: {  	[tilespmem:s19+$0xFFFFFFC0] =	vst v27  }
0x27: {  	v27 =	vld.idx.msk [tilespmem:v28+s10+$0x0], $0xffff  }
0x28: {  	v54 =	vor.u32 v15, v26;
	_ =	sdelay $0x3  }
0x29: {  	[tilespmem:s19+$0xFFFFFFD0] =	vst v27  }
0x2a: {  	v27 =	vld.idx.msk [tilespmem:v54+s10+$0x0], $0xffff  }
0x2b: {  	v55 =	vor.u32 v16, v26;
	_ =	sdelay $0x3  }
0x2c: {  	[tilespmem:s19+$0xFFFFFFE0] =	vst v27  }
0x2d: {  	v27 =	vld.idx.msk [tilespmem:v55+s10+$0x0], $0xffff  }
0x2e: {  	v56 =	vor.u32 v17, v26;
	_ =	sdelay $0x3  }
0x2f: {  	[tilespmem:s19+$0xFFFFFFF0] =	vst v27  }
0x30: {  	v27 =	vld.idx.msk [tilespmem:v56+s10+$0x0], $0xffff  }
0x31: {  	v57 =	vor.u32 v18, v26;
	_ =	sdelay $0x3  }
0x32: {  	[tilespmem:s19+$0x0] =	vst v27  }
0x33: {  	v27 =	vld.idx.msk [tilespmem:v57+s10+$0x0], $0xffff  }
0x34: {  	v58 =	vor.u32 v19, v26;
	_ =	sdelay $0x3  }
0x35: {  	[tilespmem:s19+$0x10] =	vst v27  }
0x36: {  	v27 =	vld.idx.msk [tilespmem:v58+s10+$0x0], $0xffff  }
0x37: {  	v59 =	vor.u32 v20, v26;
	_ =	sdelay $0x3  }
0x38: {  	[tilespmem:s19+$0x20] =	vst v27  }
0x39: {  	v27 =	vld.idx.msk [tilespmem:v59+s10+$0x0], $0xffff  }
0x3a: {  	v60 =	vor.u32 v21, v26;
	_ =	sdelay $0x3  }
0x3b: {  	[tilespmem:s19+$0x30] =	vst v27  }
0x3c: {  	v27 =	vld.idx.msk [tilespmem:v60+s10+$0x0], $0xffff  }
0x3d: {  	v61 =	vor.u32 v22, v26;
	_ =	sdelay $0x3  }
0x3e: {  	[tilespmem:s20+$0xFFFFFFE0] =	vst v27  }
0x3f: {  	v27 =	vld.idx.msk [tilespmem:v61+s10+$0x0], $0xffff  }
0x40: {  	v62 =	vor.u32 v23, v26;
	_ =	sdelay $0x3  }
0x41: {  	[tilespmem:s20+$0xFFFFFFF0] =	vst v27  }
0x42: {  	v27 =	vld.idx.msk [tilespmem:v62+s10+$0x0], $0xffff  }
0x43: {  	v63 =	vor.u32 v24, v26;
	_ =	sdelay $0x3  }
0x44: {  	[tilespmem:s20+$0x0] =	vst v27  }
0x45: {  	v27 =	vld.idx.msk [tilespmem:v63+s10+$0x0], $0xffff  }
0x46: {  	v26 =	vor.u32 v25, v26;
	_ =	sdelay $0x3  }
0x47: {  	[tilespmem:s20+$0x10] =	vst v27  }
0x48: {  	v26 =	vld.idx.msk [tilespmem:v26+s10+$0x0], $0xffff  }
.LBB2_7:
0x49: {  	s21 =	sadd.s32 $0x1, s21  }
0x4a: {  	p1 =	sne.s32 s21, $0x80  }
.Ltmp3:
0x4b: {  	_ = 	snop;
	(pc) =	sbr.rel @!p1 .LBB2_8-.Ltmp3, $3  }
0x4c: {  	_ =	sdelay $0x1  }
0x4d: {  	p0 =	slt.s32 s23, $0x18680  }
0x4e: {  	s19 =	sadd.s32 $0x80, s19;
	s18 =	smov.u32 @p0 s22;
	[tilespmem:s20+$0x18] =	vst v26;
	s20 =	sadd.s32 $0x80, s20  }
.LBB2_2:
0x4f: {  	v26 =	vmov s21;
	_ =	sdelay $0x4  }
0x50: {  	v26 =	vld.idx.msk [tilespmem:v26+s4+$0x0], $0xffff;
	_ =	sdelay $0x4  }
0x51: {  	v26 =	vxor.u32 $0x80000000, v26  }
0x52: {  	(xrf0) =	vmax.scan.msk.u32 $0xffff, v26;
	_ =	sdelay $0x5  }
0x53: {  	v26, _, _ =	vpop (xrf0)  }
0x54: {  	(v2sf) =	vpush v26, $0xF;
	_ =	sdelay $0xe  }
0x55: {  	s24 =	spop (v2sf)  }
0x56: {  	s23 =	sxor.u32 $0x80000000, s24  }
0x57: {  	s22 =	sshra.s32 s23, $0x7;
	p0 =	sgt.s32 s23, $0x1867F  }
0x58: {  	p1 =	seq.s32 @!p0 s22, s18  }
0x59: {  	p1 =	por p0, p1  }
.Ltmp4:
0x5a: {  	_ = 	snop;
	(pc) =	sbr.rel @p1 .LBB2_4-.Ltmp4, $1  }
0x5b: {  	_ =	sdelay $0x3  }
0x5c: {  	s25 =	sand.u32 $0xFFFFF80, s24  }
0x5d: {  	s25 =	sadd.s32 s1, s25  }
0x5e: {  	[tilespmem:s13], [sflag:$0x1] =	stream.strided.gather [hbm4b:s25+s11], $0x6400, s12, s11, $0x38;
	[tilespmem:$0x10480] =	vst v63  }
0x5f: {  	_ =	swait.ge [sflag:s9], $0x6400  }
0x60: {  	[sflag:s9] =	ssyncset.done $0x0  }
0x61: {  	[sflag:s9] =	ssyncadd.s32 $0xFFFF9C00  }
.LBB2_5:
0x62: {  	s24 =	sand.u32 $0x7F, s24  }
0x63: {  	v26 =	vor.u32 s24, v1;
	_ =	sdelay $0x4  }
0x64: {  	v26 =	vld.idx.msk [tilespmem:v26+s13+$0x0], $0xffff  }
0x65: {  	v27 =	vor.u32 s24, v2;
	_ =	sdelay $0x3  }
0x66: {  	[tilespmem:s19+$0xFFFFFFC0] =	vst v26  }
0x67: {  	v26 =	vld.idx.msk [tilespmem:v27+s13+$0x0], $0xffff  }
0x68: {  	v27 =	vor.u32 s24, v3;
	_ =	sdelay $0x3  }
0x69: {  	[tilespmem:s19+$0xFFFFFFD0] =	vst v26  }
0x6a: {  	v26 =	vld.idx.msk [tilespmem:v27+s13+$0x0], $0xffff  }
0x6b: {  	v27 =	vor.u32 s24, v4;
	_ =	sdelay $0x3  }
0x6c: {  	[tilespmem:s19+$0xFFFFFFE0] =	vst v26  }
0x6d: {  	v26 =	vld.idx.msk [tilespmem:v27+s13+$0x0], $0xffff  }
0x6e: {  	v27 =	vor.u32 s24, v5;
	_ =	sdelay $0x3  }
0x6f: {  	[tilespmem:s19+$0xFFFFFFF0] =	vst v26  }
0x70: {  	v26 =	vld.idx.msk [tilespmem:v27+s13+$0x0], $0xffff  }
0x71: {  	v27 =	vor.u32 s24, v6;
	_ =	sdelay $0x3  }
0x72: {  	[tilespmem:s19+$0x0] =	vst v26  }
0x73: {  	v26 =	vld.idx.msk [tilespmem:v27+s13+$0x0], $0xffff  }
0x74: {  	v27 =	vor.u32 s24, v7;
	_ =	sdelay $0x3  }
0x75: {  	[tilespmem:s19+$0x10] =	vst v26  }
0x76: {  	v26 =	vld.idx.msk [tilespmem:v27+s13+$0x0], $0xffff  }
0x77: {  	v27 =	vor.u32 s24, v8;
	_ =	sdelay $0x3  }
0x78: {  	[tilespmem:s19+$0x20] =	vst v26  }
0x79: {  	v26 =	vld.idx.msk [tilespmem:v27+s13+$0x0], $0xffff  }
0x7a: {  	v27 =	vor.u32 s24, v9;
	_ =	sdelay $0x3  }
0x7b: {  	[tilespmem:s19+$0x30] =	vst v26  }
0x7c: {  	v26 =	vld.idx.msk [tilespmem:v27+s13+$0x0], $0xffff  }
0x7d: {  	v27 =	vor.u32 s24, v10;
	_ =	sdelay $0x3  }
0x7e: {  	[tilespmem:s20+$0xFFFFFFE0] =	vst v26  }
0x7f: {  	v26 =	vld.idx.msk [tilespmem:v27+s13+$0x0], $0xffff  }
0x80: {  	v27 =	vor.u32 s24, v11;
	_ =	sdelay $0x3  }
0x81: {  	[tilespmem:s20+$0xFFFFFFF0] =	vst v26  }
0x82: {  	v26 =	vld.idx.msk [tilespmem:v27+s13+$0x0], $0xffff  }
0x83: {  	v27 =	vor.u32 s24, v12;
	_ =	sdelay $0x3  }
0x84: {  	[tilespmem:s20+$0x0] =	vst v26  }
0x85: {  	v26 =	vld.idx.msk [tilespmem:v27+s13+$0x0], $0xffff  }
0x86: {  	v27 =	vor.u32 s24, v13  }
.Ltmp5:
0x87: {  	_ = 	snop;
	(pc) =	sbr.rel .LBB2_7-.Ltmp5, $3  }
0x88: {  	_ =	sdelay $0x1  }
0x89: {  	[tilespmem:s20+$0x10] =	vst v26  }
0x8a: {  	v26 =	vld.idx.msk [tilespmem:v27+s13+$0x0], $0xffff  }
.LBB2_4:
.Ltmp6:
0x8b: {  	(pc) =	sbr.rel @p0 .LBB2_6-.Ltmp6, $4  }
.Ltmp7:
0x8c: {  	(pc) =	sbr.rel @!p0 .LBB2_5-.Ltmp7, $4  }
0x8d: {  	_ = 	snop  }
0x8e: {  	_ = 	snop  }
0x8f: {  	_ = 	snop  }
0x90: {  	_ = 	snop  }
.LBB2_9:
0x91: {  	_ =	sfence.sel $0x180000  }
0x92: {  	[bflag:$0x0] =	sbarrier.arrive $0xFFFF  }
0x93: {  	p0 =	sne.s32 s2, $0x0;
	_ =	strace $0x9000004A  }
0x94: {  	s0 =	sadd.s32 @!p0 $0x100000, s0;
	[bflag:$0x2] =	sbarrier.arrive $0xFFFF  }
0x95: {  	[sflag:s0] =	ssyncadd.tile.s32 @!p0 $0x1;
	_ =	shalt  }
.Lfunc_end2:
_tile_overlayer_lowered:
.L_overlay_start_2:
0x96: {  	(tag) =	ssettag $0x2  }
0x97: {  	s0 =	rddreg [dreg:$0x0];
	s2 =	stileid.u32  }
0x98: {  	s1 =	rddreg [dreg:$0x1];
	p0 =	sne.s32 s2, $0x0  }
0x99: {  	s3 =	rddreg [dreg:$0x2];
	[bflag:$0x3] =	sbarrier.arrive $0xFFFF;
	s2 =	simm.s32 @!p0 $0x1C01  }
0x9a: {  	[timem:s3], [sflag:s2] =	dma.local @!p0 [hbm:s0], s1  }
0x9b: {  	s0 =	simm.s32 @!p0 $0x1  }
0x9c: {  	_ =	swait.ge @!p0 [sflag:s0], s1  }
0x9d: {  	s1 =	ssub.s32 @!p0 $0x0, s1;
	[sflag:s0] =	ssyncset.done @!p0 $0x0  }
0x9e: {  	[sflag:s0] =	ssyncadd.s32 @!p0 s1  }
0x9f: {  	[bflag:$0x3] =	sbarrier.arrive $0xFFFF  }
0xa0: {  	_ =	shalt  }

</sc_bundles>
